<compile_context>
chip_gen: v7x
topology: tpu7x:2x2x1
jax: 0.10.2.dev20260603
libtpu: 0.0.44.dev20260713+nightly
codegen_flags: <defaults>
</compile_context>

<pallas_src>
import functools

import jax
import jax.numpy as jnp
from jax import lax
from jax.experimental import pallas as pl
from jax.experimental.pallas import tpu as pltpu
from jax.experimental.pallas import tpu_sc as plsc

_NUM_CORES = 2
_NUM_SUBCORES = 16
_LANES = 16
_CHUNK = 128


def kernel(token_ids, tok_table, pos_table):
    B, S = token_ids.shape
    V, E = tok_table.shape
    n_chunks = S // _CHUNK
    quarter = S // 4
    halfe = E // 2

    ids3 = token_ids.reshape(B, n_chunks, _CHUNK)
    tbl16 = tok_table.astype(jnp.bfloat16)
    pos_even = pos_table[:, 0::2]
    pos_odd = pos_table[:, 1::2]

    mesh = plsc.VectorSubcoreMesh(
        core_axis_name="c",
        subcore_axis_name="s",
        num_cores=_NUM_CORES,
        num_subcores=_NUM_SUBCORES,
    )

    @functools.partial(
        pl.kernel,
        out_type=jax.ShapeDtypeStruct((B, S, 2, halfe), jnp.float32),
        mesh=mesh,
        scratch_types=[
            pltpu.VMEM((n_chunks, _CHUNK), jnp.int32),
            pltpu.VMEM((S, E), jnp.bfloat16),
            pltpu.VMEM((S, 2, halfe), jnp.float32),
            pltpu.VMEM((quarter, halfe), jnp.float32),
            pltpu.VMEM((quarter, halfe), jnp.float32),
            pltpu.SemaphoreType.DMA,
        ],
        compiler_params=pltpu.CompilerParams(
            use_tc_tiling_on_sc=False, needs_layout_passes=False
        ),
    )
    def run(ids_hbm, tok_hbm, pe_hbm, po_hbm, out_hbm,
            idx_v, buf16, buf, pos_e, pos_o, sem):
        w = lax.axis_index("s") * _NUM_CORES + lax.axis_index("c")

        pltpu.sync_copy(ids_hbm.at[w], idx_v)

        copies = []
        for c in range(n_chunks):
            copies.append(
                pltpu.async_copy(
                    tok_hbm.at[idx_v.at[c]],
                    buf16.at[pl.ds(c * _CHUNK, _CHUNK)],
                    sem,
                )
            )

        himask = jnp.full((_LANES,), jnp.int32(-65536))

        for qch in range(4):
            pltpu.sync_copy(pe_hbm.at[pl.ds(qch * quarter, quarter)], pos_e)
            pltpu.sync_copy(po_hbm.at[pl.ds(qch * quarter, quarter)], pos_o)
            for c in range(qch * 4, qch * 4 + 4):
                copies[c].wait()

            def body(r, carry, qch=qch):
                row = qch * quarter + r
                v32 = plsc.bitcast(buf16[row, :], jnp.int32)
                lo = plsc.bitcast(
                    lax.shift_left(v32, jnp.int32(16)), jnp.float32
                )
                hi = plsc.bitcast(
                    lax.bitwise_and(v32, himask), jnp.float32
                )
                buf[row, 0, :] = lo + pos_e[r, :]
                buf[row, 1, :] = hi + pos_o[r, :]
                return carry

            lax.fori_loop(0, quarter, body, 0, unroll=4)

        pltpu.sync_copy(buf, out_hbm.at[w])

    out4 = run(ids3, tbl16, pos_even, pos_odd)
    return out4.transpose(0, 1, 3, 2).reshape(B, S, E)

# --- scband reference (transcript-rebuilt; emitter-appended) ---
"""Pipeline reference for scband-embedding-26079041421511 (READ-ONLY COPY).

The authoritative reference and input builder live on the scoring server;
editing this copy changes nothing except your own understanding.
"""

import jax, jax.numpy as jnp
import numpy as np

VOCAB = 1000000
EMBED = 32
CTX = 2048
BATCH = 32
SEQ = 2048


def setup_inputs(seed: int = 0) -> dict:
    key = jax.random.key(seed)
    k1, k2, k3 = jax.random.split(key, 3)
    token_ids = jax.random.randint(k1, (BATCH, SEQ), 0, VOCAB, dtype=jnp.int64 if jax.config.read('jax_enable_x64') else jnp.int32)
    tok_table = jax.random.normal(k2, (VOCAB, EMBED), dtype=jnp.float32) * 0.02
    pos_table = jax.random.normal(k3, (CTX, EMBED), dtype=jnp.float32) * 0.02
    return {"token_ids": token_ids, "tok_table": tok_table, "pos_table": pos_table}


def reference(token_ids, tok_table, pos_table):
    # token embedding: gather rows from tok_table
    token_embeds = jnp.take(tok_table, token_ids, axis=0)  # [B, S, E]
    # positional encoding: gather rows 0..S-1 from pos_table
    positional_indices = jnp.arange(token_ids.shape[-1])
    position_embeds = jnp.take(pos_table, positional_indices, axis=0)  # [S, E]
    return token_embeds + position_embeds

if __name__ == "__main__":
    import jax
    _d = setup_inputs()
    print(jax.jit(kernel)(*tuple(_d.values())))

</pallas_src>

<mosaic_0001>
#map = affine_map<(d0, d1) -> (0, 0, 0)>
#map1 = affine_map<(d0, d1) -> (0, 0)>
#map2 = affine_map<(d0, d1) -> (0, 0, 0, 0)>
module attributes {stable_mosaic.version = 14 : i64} {
  func.func @run(%arg0: i32, %arg1: i32, %arg2: memref<32x16x128xi32, #tpu.memory_space<hbm>>, %arg3: memref<1000000x32xbf16, #tpu.memory_space<hbm>>, %arg4: memref<2048x16xf32, #tpu.memory_space<hbm>>, %arg5: memref<2048x16xf32, #tpu.memory_space<hbm>>, %arg6: memref<32x2048x2x16xf32, #tpu.memory_space<hbm>>, %arg7: memref<16x128xi32, #tpu.memory_space<vmem>>, %arg8: memref<2048x32xbf16, #tpu.memory_space<vmem>>, %arg9: memref<2048x2x16xf32, #tpu.memory_space<vmem>>, %arg10: memref<512x16xf32, #tpu.memory_space<vmem>>, %arg11: memref<512x16xf32, #tpu.memory_space<vmem>>, %arg12: memref<!tpu.dma_semaphore, #tpu.memory_space<semaphore_mem>>) attributes {dimension_semantics = [#tpu.dimension_semantics<core_parallel>, #tpu.dimension_semantics<subcore_parallel>], iteration_bounds = array<i64: 2, 16>, scalar_prefetch = 0 : i64, scratch_operands = 6 : i64, tpu.core_type = #tpu.core_type<sc_vector_subcore>, window_params = [{transform_indices = #map}, {transform_indices = #map1}, {transform_indices = #map1}, {transform_indices = #map1}, {transform_indices = #map2}]} {
    %mul3A = arith.constant 2 : i32
    %mul3A_0 = arith.muli %arg1, %mul3A : i32
    %add3A = arith.addi %mul3A_0, %arg0 : i32
    "tpu.region"() ({
      %run_scoped3A = tpu.sem_alloc : memref<!tpu.dma_semaphore, #tpu.memory_space<semaphore_mem>>
      %dma_start3A_343 = arith.constant 0 : i32
      %dma_start3A_344 = arith.constant 0 : i32
      %dma_start3A_345 = tpu.memref_slice %arg2[%add3A, %dma_start3A_343, %dma_start3A_344] : memref<32x16x128xi32, #tpu.memory_space<hbm>> -> memref<1x16x128xi32, #tpu.memory_space<hbm>>
      %dma_start3A_346 = tpu.memref_squeeze %dma_start3A_345 : memref<1x16x128xi32, #tpu.memory_space<hbm>> -> memref<16x128xi32, #tpu.memory_space<hbm>>
      %dma_start3A_347 = arith.constant 0 : i32
      %dma_start3A_348 = arith.constant 0 : i32
      %dma_start3A_349 = tpu.memref_slice %arg2[%add3A, %dma_start3A_347, %dma_start3A_348] : memref<32x16x128xi32, #tpu.memory_space<hbm>> -> memref<1x16x128xi32, #tpu.memory_space<hbm>>
      %dma_start3A_350 = tpu.memref_squeeze %dma_start3A_349 : memref<1x16x128xi32, #tpu.memory_space<hbm>> -> memref<16x128xi32, #tpu.memory_space<hbm>>
      tpu.enqueue_dma source(%dma_start3A_350 : memref<16x128xi32, #tpu.memory_space<hbm>>) target(%arg7 : memref<16x128xi32, #tpu.memory_space<vmem>>) target_semaphore(%run_scoped3A : memref<!tpu.dma_semaphore, #tpu.memory_space<semaphore_mem>>)
      %dma_wait3A_351 = arith.constant 0 : i32
      %dma_wait3A_352 = arith.constant 0 : i32
      %dma_wait3A_353 = tpu.memref_slice %arg2[%add3A, %dma_wait3A_351, %dma_wait3A_352] : memref<32x16x128xi32, #tpu.memory_space<hbm>> -> memref<1x16x128xi32, #tpu.memory_space<hbm>>
      %dma_wait3A_354 = tpu.memref_squeeze %dma_wait3A_353 : memref<1x16x128xi32, #tpu.memory_space<hbm>> -> memref<16x128xi32, #tpu.memory_space<hbm>>
      %dma_wait3A_355 = arith.constant 0 : i32
      %dma_wait3A_356 = arith.constant 0 : i32
      %dma_wait3A_357 = tpu.memref_slice %arg2[%add3A, %dma_wait3A_355, %dma_wait3A_356] : memref<32x16x128xi32, #tpu.memory_space<hbm>> -> memref<1x16x128xi32, #tpu.memory_space<hbm>>
      %dma_wait3A_358 = tpu.memref_squeeze %dma_wait3A_357 : memref<1x16x128xi32, #tpu.memory_space<hbm>> -> memref<16x128xi32, #tpu.memory_space<hbm>>
      tpu.wait_dma2 semaphore(%run_scoped3A : memref<!tpu.dma_semaphore, #tpu.memory_space<semaphore_mem>>) src(%dma_wait3A_358 : memref<16x128xi32, #tpu.memory_space<hbm>>) dst(%arg7 : memref<16x128xi32, #tpu.memory_space<vmem>>)
      tpu.yield
    }) : () -> ()
    %dma_start3A = arith.constant 0 : i32
    %dma_start3A_1 = arith.constant 0 : i32
    %dma_start3A_2 = arith.constant 0 : i32
    %dma_start3A_3 = tpu.memref_slice %arg8[%dma_start3A_1, %dma_start3A_2] : memref<2048x32xbf16, #tpu.memory_space<vmem>> -> memref<128x32xbf16, #tpu.memory_space<vmem>>
    %dma_start3A_4 = arith.constant 0 : i32
    %dma_start3A_5 = tpu.memref_slice %arg7[%dma_start3A, %dma_start3A_4] : memref<16x128xi32, #tpu.memory_space<vmem>> -> memref<1x128xi32, #tpu.memory_space<vmem>>
    %dma_start3A_6 = tpu.memref_squeeze %dma_start3A_5 : memref<1x128xi32, #tpu.memory_space<vmem>> -> memref<128xi32, #tpu.memory_space<vmem>>
    %dma_start3A_7 = arith.constant 0 : i32
    %dma_start3A_8 = arith.constant 0 : i32
    %dma_start3A_9 = tpu.memref_slice %arg3[%dma_start3A_7, %dma_start3A_8] : memref<1000000x32xbf16, #tpu.memory_space<hbm>> -> memref<1000000x32xbf16, #tpu.memory_space<hbm>>
    tpu.enqueue_indirect_dma source(%dma_start3A_9 : memref<1000000x32xbf16, #tpu.memory_space<hbm>>) target(%dma_start3A_3 : memref<128x32xbf16, #tpu.memory_space<vmem>>) offsets(%dma_start3A_6 : memref<128xi32, #tpu.memory_space<vmem>>) semaphore(%arg12 : memref<!tpu.dma_semaphore, #tpu.memory_space<semaphore_mem>>)
    %dma_start3A_10 = arith.constant 1 : i32
    %dma_start3A_11 = arith.constant 128 : i32
    %dma_start3A_12 = arith.constant 0 : i32
    %dma_start3A_13 = tpu.memref_slice %arg8[%dma_start3A_11, %dma_start3A_12] : memref<2048x32xbf16, #tpu.memory_space<vmem>> -> memref<128x32xbf16, #tpu.memory_space<vmem>>
    %dma_start3A_14 = arith.constant 0 : i32
    %dma_start3A_15 = tpu.memref_slice %arg7[%dma_start3A_10, %dma_start3A_14] : memref<16x128xi32, #tpu.memory_space<vmem>> -> memref<1x128xi32, #tpu.memory_space<vmem>>
    %dma_start3A_16 = tpu.memref_squeeze %dma_start3A_15 : memref<1x128xi32, #tpu.memory_space<vmem>> -> memref<128xi32, #tpu.memory_space<vmem>>
    %dma_start3A_17 = arith.constant 0 : i32
    %dma_start3A_18 = arith.constant 0 : i32
    %dma_start3A_19 = tpu.memref_slice %arg3[%dma_start3A_17, %dma_start3A_18] : memref<1000000x32xbf16, #tpu.memory_space<hbm>> -> memref<1000000x32xbf16, #tpu.memory_space<hbm>>
    tpu.enqueue_indirect_dma source(%dma_start3A_19 : memref<1000000x32xbf16, #tpu.memory_space<hbm>>) target(%dma_start3A_13 : memref<128x32xbf16, #tpu.memory_space<vmem>>) offsets(%dma_start3A_16 : memref<128xi32, #tpu.memory_space<vmem>>) semaphore(%arg12 : memref<!tpu.dma_semaphore, #tpu.memory_space<semaphore_mem>>)
    %dma_start3A_20 = arith.constant 2 : i32
    %dma_start3A_21 = arith.constant 256 : i32
    %dma_start3A_22 = arith.constant 0 : i32
    %dma_start3A_23 = tpu.memref_slice %arg8[%dma_start3A_21, %dma_start3A_22] : memref<2048x32xbf16, #tpu.memory_space<vmem>> -> memref<128x32xbf16, #tpu.memory_space<vmem>>
    %dma_start3A_24 = arith.constant 0 : i32
    %dma_start3A_25 = tpu.memref_slice %arg7[%dma_start3A_20, %dma_start3A_24] : memref<16x128xi32, #tpu.memory_space<vmem>> -> memref<1x128xi32, #tpu.memory_space<vmem>>
    %dma_start3A_26 = tpu.memref_squeeze %dma_start3A_25 : memref<1x128xi32, #tpu.memory_space<vmem>> -> memref<128xi32, #tpu.memory_space<vmem>>
    %dma_start3A_27 = arith.constant 0 : i32
    %dma_start3A_28 = arith.constant 0 : i32
    %dma_start3A_29 = tpu.memref_slice %arg3[%dma_start3A_27, %dma_start3A_28] : memref<1000000x32xbf16, #tpu.memory_space<hbm>> -> memref<1000000x32xbf16, #tpu.memory_space<hbm>>
    tpu.enqueue_indirect_dma source(%dma_start3A_29 : memref<1000000x32xbf16, #tpu.memory_space<hbm>>) target(%dma_start3A_23 : memref<128x32xbf16, #tpu.memory_space<vmem>>) offsets(%dma_start3A_26 : memref<128xi32, #tpu.memory_space<vmem>>) semaphore(%arg12 : memref<!tpu.dma_semaphore, #tpu.memory_space<semaphore_mem>>)
    %dma_start3A_30 = arith.constant 3 : i32
    %dma_start3A_31 = arith.constant 384 : i32
    %dma_start3A_32 = arith.constant 0 : i32
    %dma_start3A_33 = tpu.memref_slice %arg8[%dma_start3A_31, %dma_start3A_32] : memref<2048x32xbf16, #tpu.memory_space<vmem>> -> memref<128x32xbf16, #tpu.memory_space<vmem>>
    %dma_start3A_34 = arith.constant 0 : i32
    %dma_start3A_35 = tpu.memref_slice %arg7[%dma_start3A_30, %dma_start3A_34] : memref<16x128xi32, #tpu.memory_space<vmem>> -> memref<1x128xi32, #tpu.memory_space<vmem>>
    %dma_start3A_36 = tpu.memref_squeeze %dma_start3A_35 : memref<1x128xi32, #tpu.memory_space<vmem>> -> memref<128xi32, #tpu.memory_space<vmem>>
    %dma_start3A_37 = arith.constant 0 : i32
    %dma_start3A_38 = arith.constant 0 : i32
    %dma_start3A_39 = tpu.memref_slice %arg3[%dma_start3A_37, %dma_start3A_38] : memref<1000000x32xbf16, #tpu.memory_space<hbm>> -> memref<1000000x32xbf16, #tpu.memory_space<hbm>>
    tpu.enqueue_indirect_dma source(%dma_start3A_39 : memref<1000000x32xbf16, #tpu.memory_space<hbm>>) target(%dma_start3A_33 : memref<128x32xbf16, #tpu.memory_space<vmem>>) offsets(%dma_start3A_36 : memref<128xi32, #tpu.memory_space<vmem>>) semaphore(%arg12 : memref<!tpu.dma_semaphore, #tpu.memory_space<semaphore_mem>>)
    %dma_start3A_40 = arith.constant 4 : i32
    %dma_start3A_41 = arith.constant 512 : i32
    %dma_start3A_42 = arith.constant 0 : i32
    %dma_start3A_43 = tpu.memref_slice %arg8[%dma_start3A_41, %dma_start3A_42] : memref<2048x32xbf16, #tpu.memory_space<vmem>> -> memref<128x32xbf16, #tpu.memory_space<vmem>>
    %dma_start3A_44 = arith.constant 0 : i32
    %dma_start3A_45 = tpu.memref_slice %arg7[%dma_start3A_40, %dma_start3A_44] : memref<16x128xi32, #tpu.memory_space<vmem>> -> memref<1x128xi32, #tpu.memory_space<vmem>>
    %dma_start3A_46 = tpu.memref_squeeze %dma_start3A_45 : memref<1x128xi32, #tpu.memory_space<vmem>> -> memref<128xi32, #tpu.memory_space<vmem>>
    %dma_start3A_47 = arith.constant 0 : i32
    %dma_start3A_48 = arith.constant 0 : i32
    %dma_start3A_49 = tpu.memref_slice %arg3[%dma_start3A_47, %dma_start3A_48] : memref<1000000x32xbf16, #tpu.memory_space<hbm>> -> memref<1000000x32xbf16, #tpu.memory_space<hbm>>
    tpu.enqueue_indirect_dma source(%dma_start3A_49 : memref<1000000x32xbf16, #tpu.memory_space<hbm>>) target(%dma_start3A_43 : memref<128x32xbf16, #tpu.memory_space<vmem>>) offsets(%dma_start3A_46 : memref<128xi32, #tpu.memory_space<vmem>>) semaphore(%arg12 : memref<!tpu.dma_semaphore, #tpu.memory_space<semaphore_mem>>)
    %dma_start3A_50 = arith.constant 5 : i32
    %dma_start3A_51 = arith.constant 640 : i32
    %dma_start3A_52 = arith.constant 0 : i32
    %dma_start3A_53 = tpu.memref_slice %arg8[%dma_start3A_51, %dma_start3A_52] : memref<2048x32xbf16, #tpu.memory_space<vmem>> -> memref<128x32xbf16, #tpu.memory_space<vmem>>
    %dma_start3A_54 = arith.constant 0 : i32
    %dma_start3A_55 = tpu.memref_slice %arg7[%dma_start3A_50, %dma_start3A_54] : memref<16x128xi32, #tpu.memory_space<vmem>> -> memref<1x128xi32, #tpu.memory_space<vmem>>
    %dma_start3A_56 = tpu.memref_squeeze %dma_start3A_55 : memref<1x128xi32, #tpu.memory_space<vmem>> -> memref<128xi32, #tpu.memory_space<vmem>>
    %dma_start3A_57 = arith.constant 0 : i32
    %dma_start3A_58 = arith.constant 0 : i32
    %dma_start3A_59 = tpu.memref_slice %arg3[%dma_start3A_57, %dma_start3A_58] : memref<1000000x32xbf16, #tpu.memory_space<hbm>> -> memref<1000000x32xbf16, #tpu.memory_space<hbm>>
    tpu.enqueue_indirect_dma source(%dma_start3A_59 : memref<1000000x32xbf16, #tpu.memory_space<hbm>>) target(%dma_start3A_53 : memref<128x32xbf16, #tpu.memory_space<vmem>>) offsets(%dma_start3A_56 : memref<128xi32, #tpu.memory_space<vmem>>) semaphore(%arg12 : memref<!tpu.dma_semaphore, #tpu.memory_space<semaphore_mem>>)
    %dma_start3A_60 = arith.constant 6 : i32
    %dma_start3A_61 = arith.constant 768 : i32
    %dma_start3A_62 = arith.constant 0 : i32
    %dma_start3A_63 = tpu.memref_slice %arg8[%dma_start3A_61, %dma_start3A_62] : memref<2048x32xbf16, #tpu.memory_space<vmem>> -> memref<128x32xbf16, #tpu.memory_space<vmem>>
    %dma_start3A_64 = arith.constant 0 : i32
    %dma_start3A_65 = tpu.memref_slice %arg7[%dma_start3A_60, %dma_start3A_64] : memref<16x128xi32, #tpu.memory_space<vmem>> -> memref<1x128xi32, #tpu.memory_space<vmem>>
    %dma_start3A_66 = tpu.memref_squeeze %dma_start3A_65 : memref<1x128xi32, #tpu.memory_space<vmem>> -> memref<128xi32, #tpu.memory_space<vmem>>
    %dma_start3A_67 = arith.constant 0 : i32
    %dma_start3A_68 = arith.constant 0 : i32
    %dma_start3A_69 = tpu.memref_slice %arg3[%dma_start3A_67, %dma_start3A_68] : memref<1000000x32xbf16, #tpu.memory_space<hbm>> -> memref<1000000x32xbf16, #tpu.memory_space<hbm>>
    tpu.enqueue_indirect_dma source(%dma_start3A_69 : memref<1000000x32xbf16, #tpu.memory_space<hbm>>) target(%dma_start3A_63 : memref<128x32xbf16, #tpu.memory_space<vmem>>) offsets(%dma_start3A_66 : memref<128xi32, #tpu.memory_space<vmem>>) semaphore(%arg12 : memref<!tpu.dma_semaphore, #tpu.memory_space<semaphore_mem>>)
    %dma_start3A_70 = arith.constant 7 : i32
    %dma_start3A_71 = arith.constant 896 : i32
    %dma_start3A_72 = arith.constant 0 : i32
    %dma_start3A_73 = tpu.memref_slice %arg8[%dma_start3A_71, %dma_start3A_72] : memref<2048x32xbf16, #tpu.memory_space<vmem>> -> memref<128x32xbf16, #tpu.memory_space<vmem>>
    %dma_start3A_74 = arith.constant 0 : i32
    %dma_start3A_75 = tpu.memref_slice %arg7[%dma_start3A_70, %dma_start3A_74] : memref<16x128xi32, #tpu.memory_space<vmem>> -> memref<1x128xi32, #tpu.memory_space<vmem>>
    %dma_start3A_76 = tpu.memref_squeeze %dma_start3A_75 : memref<1x128xi32, #tpu.memory_space<vmem>> -> memref<128xi32, #tpu.memory_space<vmem>>
    %dma_start3A_77 = arith.constant 0 : i32
    %dma_start3A_78 = arith.constant 0 : i32
    %dma_start3A_79 = tpu.memref_slice %arg3[%dma_start3A_77, %dma_start3A_78] : memref<1000000x32xbf16, #tpu.memory_space<hbm>> -> memref<1000000x32xbf16, #tpu.memory_space<hbm>>
    tpu.enqueue_indirect_dma source(%dma_start3A_79 : memref<1000000x32xbf16, #tpu.memory_space<hbm>>) target(%dma_start3A_73 : memref<128x32xbf16, #tpu.memory_space<vmem>>) offsets(%dma_start3A_76 : memref<128xi32, #tpu.memory_space<vmem>>) semaphore(%arg12 : memref<!tpu.dma_semaphore, #tpu.memory_space<semaphore_mem>>)
    %dma_start3A_80 = arith.constant 8 : i32
    %dma_start3A_81 = arith.constant 1024 : i32
    %dma_start3A_82 = arith.constant 0 : i32
    %dma_start3A_83 = tpu.memref_slice %arg8[%dma_start3A_81, %dma_start3A_82] : memref<2048x32xbf16, #tpu.memory_space<vmem>> -> memref<128x32xbf16, #tpu.memory_space<vmem>>
    %dma_start3A_84 = arith.constant 0 : i32
    %dma_start3A_85 = tpu.memref_slice %arg7[%dma_start3A_80, %dma_start3A_84] : memref<16x128xi32, #tpu.memory_space<vmem>> -> memref<1x128xi32, #tpu.memory_space<vmem>>
    %dma_start3A_86 = tpu.memref_squeeze %dma_start3A_85 : memref<1x128xi32, #tpu.memory_space<vmem>> -> memref<128xi32, #tpu.memory_space<vmem>>
    %dma_start3A_87 = arith.constant 0 : i32
    %dma_start3A_88 = arith.constant 0 : i32
    %dma_start3A_89 = tpu.memref_slice %arg3[%dma_start3A_87, %dma_start3A_88] : memref<1000000x32xbf16, #tpu.memory_space<hbm>> -> memref<1000000x32xbf16, #tpu.memory_space<hbm>>
    tpu.enqueue_indirect_dma source(%dma_start3A_89 : memref<1000000x32xbf16, #tpu.memory_space<hbm>>) target(%dma_start3A_83 : memref<128x32xbf16, #tpu.memory_space<vmem>>) offsets(%dma_start3A_86 : memref<128xi32, #tpu.memory_space<vmem>>) semaphore(%arg12 : memref<!tpu.dma_semaphore, #tpu.memory_space<semaphore_mem>>)
    %dma_start3A_90 = arith.constant 9 : i32
    %dma_start3A_91 = arith.constant 1152 : i32
    %dma_start3A_92 = arith.constant 0 : i32
    %dma_start3A_93 = tpu.memref_slice %arg8[%dma_start3A_91, %dma_start3A_92] : memref<2048x32xbf16, #tpu.memory_space<vmem>> -> memref<128x32xbf16, #tpu.memory_space<vmem>>
    %dma_start3A_94 = arith.constant 0 : i32
    %dma_start3A_95 = tpu.memref_slice %arg7[%dma_start3A_90, %dma_start3A_94] : memref<16x128xi32, #tpu.memory_space<vmem>> -> memref<1x128xi32, #tpu.memory_space<vmem>>
    %dma_start3A_96 = tpu.memref_squeeze %dma_start3A_95 : memref<1x128xi32, #tpu.memory_space<vmem>> -> memref<128xi32, #tpu.memory_space<vmem>>
    %dma_start3A_97 = arith.constant 0 : i32
    %dma_start3A_98 = arith.constant 0 : i32
    %dma_start3A_99 = tpu.memref_slice %arg3[%dma_start3A_97, %dma_start3A_98] : memref<1000000x32xbf16, #tpu.memory_space<hbm>> -> memref<1000000x32xbf16, #tpu.memory_space<hbm>>
    tpu.enqueue_indirect_dma source(%dma_start3A_99 : memref<1000000x32xbf16, #tpu.memory_space<hbm>>) target(%dma_start3A_93 : memref<128x32xbf16, #tpu.memory_space<vmem>>) offsets(%dma_start3A_96 : memref<128xi32, #tpu.memory_space<vmem>>) semaphore(%arg12 : memref<!tpu.dma_semaphore, #tpu.memory_space<semaphore_mem>>)
    %dma_start3A_100 = arith.constant 10 : i32
    %dma_start3A_101 = arith.constant 1280 : i32
    %dma_start3A_102 = arith.constant 0 : i32
    %dma_start3A_103 = tpu.memref_slice %arg8[%dma_start3A_101, %dma_start3A_102] : memref<2048x32xbf16, #tpu.memory_space<vmem>> -> memref<128x32xbf16, #tpu.memory_space<vmem>>
    %dma_start3A_104 = arith.constant 0 : i32
    %dma_start3A_105 = tpu.memref_slice %arg7[%dma_start3A_100, %dma_start3A_104] : memref<16x128xi32, #tpu.memory_space<vmem>> -> memref<1x128xi32, #tpu.memory_space<vmem>>
    %dma_start3A_106 = tpu.memref_squeeze %dma_start3A_105 : memref<1x128xi32, #tpu.memory_space<vmem>> -> memref<128xi32, #tpu.memory_space<vmem>>
    %dma_start3A_107 = arith.constant 0 : i32
    %dma_start3A_108 = arith.constant 0 : i32
    %dma_start3A_109 = tpu.memref_slice %arg3[%dma_start3A_107, %dma_start3A_108] : memref<1000000x32xbf16, #tpu.memory_space<hbm>> -> memref<1000000x32xbf16, #tpu.memory_space<hbm>>
    tpu.enqueue_indirect_dma source(%dma_start3A_109 : memref<1000000x32xbf16, #tpu.memory_space<hbm>>) target(%dma_start3A_103 : memref<128x32xbf16, #tpu.memory_space<vmem>>) offsets(%dma_start3A_106 : memref<128xi32, #tpu.memory_space<vmem>>) semaphore(%arg12 : memref<!tpu.dma_semaphore, #tpu.memory_space<semaphore_mem>>)
    %dma_start3A_110 = arith.constant 11 : i32
    %dma_start3A_111 = arith.constant 1408 : i32
    %dma_start3A_112 = arith.constant 0 : i32
    %dma_start3A_113 = tpu.memref_slice %arg8[%dma_start3A_111, %dma_start3A_112] : memref<2048x32xbf16, #tpu.memory_space<vmem>> -> memref<128x32xbf16, #tpu.memory_space<vmem>>
    %dma_start3A_114 = arith.constant 0 : i32
    %dma_start3A_115 = tpu.memref_slice %arg7[%dma_start3A_110, %dma_start3A_114] : memref<16x128xi32, #tpu.memory_space<vmem>> -> memref<1x128xi32, #tpu.memory_space<vmem>>
    %dma_start3A_116 = tpu.memref_squeeze %dma_start3A_115 : memref<1x128xi32, #tpu.memory_space<vmem>> -> memref<128xi32, #tpu.memory_space<vmem>>
    %dma_start3A_117 = arith.constant 0 : i32
    %dma_start3A_118 = arith.constant 0 : i32
    %dma_start3A_119 = tpu.memref_slice %arg3[%dma_start3A_117, %dma_start3A_118] : memref<1000000x32xbf16, #tpu.memory_space<hbm>> -> memref<1000000x32xbf16, #tpu.memory_space<hbm>>
    tpu.enqueue_indirect_dma source(%dma_start3A_119 : memref<1000000x32xbf16, #tpu.memory_space<hbm>>) target(%dma_start3A_113 : memref<128x32xbf16, #tpu.memory_space<vmem>>) offsets(%dma_start3A_116 : memref<128xi32, #tpu.memory_space<vmem>>) semaphore(%arg12 : memref<!tpu.dma_semaphore, #tpu.memory_space<semaphore_mem>>)
    %dma_start3A_120 = arith.constant 12 : i32
    %dma_start3A_121 = arith.constant 1536 : i32
    %dma_start3A_122 = arith.constant 0 : i32
    %dma_start3A_123 = tpu.memref_slice %arg8[%dma_start3A_121, %dma_start3A_122] : memref<2048x32xbf16, #tpu.memory_space<vmem>> -> memref<128x32xbf16, #tpu.memory_space<vmem>>
    %dma_start3A_124 = arith.constant 0 : i32
    %dma_start3A_125 = tpu.memref_slice %arg7[%dma_start3A_120, %dma_start3A_124] : memref<16x128xi32, #tpu.memory_space<vmem>> -> memref<1x128xi32, #tpu.memory_space<vmem>>
    %dma_start3A_126 = tpu.memref_squeeze %dma_start3A_125 : memref<1x128xi32, #tpu.memory_space<vmem>> -> memref<128xi32, #tpu.memory_space<vmem>>
    %dma_start3A_127 = arith.constant 0 : i32
    %dma_start3A_128 = arith.constant 0 : i32
    %dma_start3A_129 = tpu.memref_slice %arg3[%dma_start3A_127, %dma_start3A_128] : memref<1000000x32xbf16, #tpu.memory_space<hbm>> -> memref<1000000x32xbf16, #tpu.memory_space<hbm>>
    tpu.enqueue_indirect_dma source(%dma_start3A_129 : memref<1000000x32xbf16, #tpu.memory_space<hbm>>) target(%dma_start3A_123 : memref<128x32xbf16, #tpu.memory_space<vmem>>) offsets(%dma_start3A_126 : memref<128xi32, #tpu.memory_space<vmem>>) semaphore(%arg12 : memref<!tpu.dma_semaphore, #tpu.memory_space<semaphore_mem>>)
    %dma_start3A_130 = arith.constant 13 : i32
    %dma_start3A_131 = arith.constant 1664 : i32
    %dma_start3A_132 = arith.constant 0 : i32
    %dma_start3A_133 = tpu.memref_slice %arg8[%dma_start3A_131, %dma_start3A_132] : memref<2048x32xbf16, #tpu.memory_space<vmem>> -> memref<128x32xbf16, #tpu.memory_space<vmem>>
    %dma_start3A_134 = arith.constant 0 : i32
    %dma_start3A_135 = tpu.memref_slice %arg7[%dma_start3A_130, %dma_start3A_134] : memref<16x128xi32, #tpu.memory_space<vmem>> -> memref<1x128xi32, #tpu.memory_space<vmem>>
    %dma_start3A_136 = tpu.memref_squeeze %dma_start3A_135 : memref<1x128xi32, #tpu.memory_space<vmem>> -> memref<128xi32, #tpu.memory_space<vmem>>
    %dma_start3A_137 = arith.constant 0 : i32
    %dma_start3A_138 = arith.constant 0 : i32
    %dma_start3A_139 = tpu.memref_slice %arg3[%dma_start3A_137, %dma_start3A_138] : memref<1000000x32xbf16, #tpu.memory_space<hbm>> -> memref<1000000x32xbf16, #tpu.memory_space<hbm>>
    tpu.enqueue_indirect_dma source(%dma_start3A_139 : memref<1000000x32xbf16, #tpu.memory_space<hbm>>) target(%dma_start3A_133 : memref<128x32xbf16, #tpu.memory_space<vmem>>) offsets(%dma_start3A_136 : memref<128xi32, #tpu.memory_space<vmem>>) semaphore(%arg12 : memref<!tpu.dma_semaphore, #tpu.memory_space<semaphore_mem>>)
    %dma_start3A_140 = arith.constant 14 : i32
    %dma_start3A_141 = arith.constant 1792 : i32
    %dma_start3A_142 = arith.constant 0 : i32
    %dma_start3A_143 = tpu.memref_slice %arg8[%dma_start3A_141, %dma_start3A_142] : memref<2048x32xbf16, #tpu.memory_space<vmem>> -> memref<128x32xbf16, #tpu.memory_space<vmem>>
    %dma_start3A_144 = arith.constant 0 : i32
    %dma_start3A_145 = tpu.memref_slice %arg7[%dma_start3A_140, %dma_start3A_144] : memref<16x128xi32, #tpu.memory_space<vmem>> -> memref<1x128xi32, #tpu.memory_space<vmem>>
    %dma_start3A_146 = tpu.memref_squeeze %dma_start3A_145 : memref<1x128xi32, #tpu.memory_space<vmem>> -> memref<128xi32, #tpu.memory_space<vmem>>
    %dma_start3A_147 = arith.constant 0 : i32
    %dma_start3A_148 = arith.constant 0 : i32
    %dma_start3A_149 = tpu.memref_slice %arg3[%dma_start3A_147, %dma_start3A_148] : memref<1000000x32xbf16, #tpu.memory_space<hbm>> -> memref<1000000x32xbf16, #tpu.memory_space<hbm>>
    tpu.enqueue_indirect_dma source(%dma_start3A_149 : memref<1000000x32xbf16, #tpu.memory_space<hbm>>) target(%dma_start3A_143 : memref<128x32xbf16, #tpu.memory_space<vmem>>) offsets(%dma_start3A_146 : memref<128xi32, #tpu.memory_space<vmem>>) semaphore(%arg12 : memref<!tpu.dma_semaphore, #tpu.memory_space<semaphore_mem>>)
    %dma_start3A_150 = arith.constant 15 : i32
    %dma_start3A_151 = arith.constant 1920 : i32
    %dma_start3A_152 = arith.constant 0 : i32
    %dma_start3A_153 = tpu.memref_slice %arg8[%dma_start3A_151, %dma_start3A_152] : memref<2048x32xbf16, #tpu.memory_space<vmem>> -> memref<128x32xbf16, #tpu.memory_space<vmem>>
    %dma_start3A_154 = arith.constant 0 : i32
    %dma_start3A_155 = tpu.memref_slice %arg7[%dma_start3A_150, %dma_start3A_154] : memref<16x128xi32, #tpu.memory_space<vmem>> -> memref<1x128xi32, #tpu.memory_space<vmem>>
    %dma_start3A_156 = tpu.memref_squeeze %dma_start3A_155 : memref<1x128xi32, #tpu.memory_space<vmem>> -> memref<128xi32, #tpu.memory_space<vmem>>
    %dma_start3A_157 = arith.constant 0 : i32
    %dma_start3A_158 = arith.constant 0 : i32
    %dma_start3A_159 = tpu.memref_slice %arg3[%dma_start3A_157, %dma_start3A_158] : memref<1000000x32xbf16, #tpu.memory_space<hbm>> -> memref<1000000x32xbf16, #tpu.memory_space<hbm>>
    tpu.enqueue_indirect_dma source(%dma_start3A_159 : memref<1000000x32xbf16, #tpu.memory_space<hbm>>) target(%dma_start3A_153 : memref<128x32xbf16, #tpu.memory_space<vmem>>) offsets(%dma_start3A_156 : memref<128xi32, #tpu.memory_space<vmem>>) semaphore(%arg12 : memref<!tpu.dma_semaphore, #tpu.memory_space<semaphore_mem>>)
    %broadcast_in_dim3A = arith.constant -65536 : i32
    %broadcast_in_dim3A_160 = vector.broadcast %broadcast_in_dim3A : i32 to vector<16xi32>
    "tpu.region"() ({
      %run_scoped3A = tpu.sem_alloc : memref<!tpu.dma_semaphore, #tpu.memory_space<semaphore_mem>>
      %dma_start3A_343 = arith.constant 0 : i32
      %dma_start3A_344 = arith.constant 0 : i32
      %dma_start3A_345 = tpu.memref_slice %arg4[%dma_start3A_343, %dma_start3A_344] : memref<2048x16xf32, #tpu.memory_space<hbm>> -> memref<512x16xf32, #tpu.memory_space<hbm>>
      %dma_start3A_346 = arith.constant 0 : i32
      %dma_start3A_347 = arith.constant 0 : i32
      %dma_start3A_348 = tpu.memref_slice %arg4[%dma_start3A_346, %dma_start3A_347] : memref<2048x16xf32, #tpu.memory_space<hbm>> -> memref<512x16xf32, #tpu.memory_space<hbm>>
      tpu.enqueue_dma source(%dma_start3A_348 : memref<512x16xf32, #tpu.memory_space<hbm>>) target(%arg10 : memref<512x16xf32, #tpu.memory_space<vmem>>) target_semaphore(%run_scoped3A : memref<!tpu.dma_semaphore, #tpu.memory_space<semaphore_mem>>)
      %dma_wait3A_349 = arith.constant 0 : i32
      %dma_wait3A_350 = arith.constant 0 : i32
      %dma_wait3A_351 = tpu.memref_slice %arg4[%dma_wait3A_349, %dma_wait3A_350] : memref<2048x16xf32, #tpu.memory_space<hbm>> -> memref<512x16xf32, #tpu.memory_space<hbm>>
      %dma_wait3A_352 = arith.constant 0 : i32
      %dma_wait3A_353 = arith.constant 0 : i32
      %dma_wait3A_354 = tpu.memref_slice %arg4[%dma_wait3A_352, %dma_wait3A_353] : memref<2048x16xf32, #tpu.memory_space<hbm>> -> memref<512x16xf32, #tpu.memory_space<hbm>>
      tpu.wait_dma2 semaphore(%run_scoped3A : memref<!tpu.dma_semaphore, #tpu.memory_space<semaphore_mem>>) src(%dma_wait3A_354 : memref<512x16xf32, #tpu.memory_space<hbm>>) dst(%arg10 : memref<512x16xf32, #tpu.memory_space<vmem>>)
      tpu.yield
    }) : () -> ()
    "tpu.region"() ({
      %run_scoped3A = tpu.sem_alloc : memref<!tpu.dma_semaphore, #tpu.memory_space<semaphore_mem>>
      %dma_start3A_343 = arith.constant 0 : i32
      %dma_start3A_344 = arith.constant 0 : i32
      %dma_start3A_345 = tpu.memref_slice %arg5[%dma_start3A_343, %dma_start3A_344] : memref<2048x16xf32, #tpu.memory_space<hbm>> -> memref<512x16xf32, #tpu.memory_space<hbm>>
      %dma_start3A_346 = arith.constant 0 : i32
      %dma_start3A_347 = arith.constant 0 : i32
      %dma_start3A_348 = tpu.memref_slice %arg5[%dma_start3A_346, %dma_start3A_347] : memref<2048x16xf32, #tpu.memory_space<hbm>> -> memref<512x16xf32, #tpu.memory_space<hbm>>
      tpu.enqueue_dma source(%dma_start3A_348 : memref<512x16xf32, #tpu.memory_space<hbm>>) target(%arg11 : memref<512x16xf32, #tpu.memory_space<vmem>>) target_semaphore(%run_scoped3A : memref<!tpu.dma_semaphore, #tpu.memory_space<semaphore_mem>>)
      %dma_wait3A_349 = arith.constant 0 : i32
      %dma_wait3A_350 = arith.constant 0 : i32
      %dma_wait3A_351 = tpu.memref_slice %arg5[%dma_wait3A_349, %dma_wait3A_350] : memref<2048x16xf32, #tpu.memory_space<hbm>> -> memref<512x16xf32, #tpu.memory_space<hbm>>
      %dma_wait3A_352 = arith.constant 0 : i32
      %dma_wait3A_353 = arith.constant 0 : i32
      %dma_wait3A_354 = tpu.memref_slice %arg5[%dma_wait3A_352, %dma_wait3A_353] : memref<2048x16xf32, #tpu.memory_space<hbm>> -> memref<512x16xf32, #tpu.memory_space<hbm>>
      tpu.wait_dma2 semaphore(%run_scoped3A : memref<!tpu.dma_semaphore, #tpu.memory_space<semaphore_mem>>) src(%dma_wait3A_354 : memref<512x16xf32, #tpu.memory_space<hbm>>) dst(%arg11 : memref<512x16xf32, #tpu.memory_space<vmem>>)
      tpu.yield
    }) : () -> ()
    %dma_wait3A = arith.constant 0 : i32
    %dma_wait3A_161 = arith.constant 0 : i32
    %dma_wait3A_162 = arith.constant 0 : i32
    %dma_wait3A_163 = tpu.memref_slice %arg8[%dma_wait3A_161, %dma_wait3A_162] : memref<2048x32xbf16, #tpu.memory_space<vmem>> -> memref<128x32xbf16, #tpu.memory_space<vmem>>
    %dma_wait3A_164 = arith.constant 0 : i32
    %dma_wait3A_165 = tpu.memref_slice %arg7[%dma_wait3A, %dma_wait3A_164] : memref<16x128xi32, #tpu.memory_space<vmem>> -> memref<1x128xi32, #tpu.memory_space<vmem>>
    %dma_wait3A_166 = tpu.memref_squeeze %dma_wait3A_165 : memref<1x128xi32, #tpu.memory_space<vmem>> -> memref<128xi32, #tpu.memory_space<vmem>>
    %dma_wait3A_167 = arith.constant 0 : i32
    %dma_wait3A_168 = arith.constant 0 : i32
    %dma_wait3A_169 = tpu.memref_slice %arg3[%dma_wait3A_167, %dma_wait3A_168] : memref<1000000x32xbf16, #tpu.memory_space<hbm>> -> memref<1000000x32xbf16, #tpu.memory_space<hbm>>
    tpu.wait_indirect_dma semaphore(%arg12 : memref<!tpu.dma_semaphore, #tpu.memory_space<semaphore_mem>>) src(%dma_wait3A_169 : memref<1000000x32xbf16, #tpu.memory_space<hbm>>) dst(%dma_wait3A_163 : memref<128x32xbf16, #tpu.memory_space<vmem>>)
    %dma_wait3A_170 = arith.constant 1 : i32
    %dma_wait3A_171 = arith.constant 128 : i32
    %dma_wait3A_172 = arith.constant 0 : i32
    %dma_wait3A_173 = tpu.memref_slice %arg8[%dma_wait3A_171, %dma_wait3A_172] : memref<2048x32xbf16, #tpu.memory_space<vmem>> -> memref<128x32xbf16, #tpu.memory_space<vmem>>
    %dma_wait3A_174 = arith.constant 0 : i32
    %dma_wait3A_175 = tpu.memref_slice %arg7[%dma_wait3A_170, %dma_wait3A_174] : memref<16x128xi32, #tpu.memory_space<vmem>> -> memref<1x128xi32, #tpu.memory_space<vmem>>
    %dma_wait3A_176 = tpu.memref_squeeze %dma_wait3A_175 : memref<1x128xi32, #tpu.memory_space<vmem>> -> memref<128xi32, #tpu.memory_space<vmem>>
    %dma_wait3A_177 = arith.constant 0 : i32
    %dma_wait3A_178 = arith.constant 0 : i32
    %dma_wait3A_179 = tpu.memref_slice %arg3[%dma_wait3A_177, %dma_wait3A_178] : memref<1000000x32xbf16, #tpu.memory_space<hbm>> -> memref<1000000x32xbf16, #tpu.memory_space<hbm>>
    tpu.wait_indirect_dma semaphore(%arg12 : memref<!tpu.dma_semaphore, #tpu.memory_space<semaphore_mem>>) src(%dma_wait3A_179 : memref<1000000x32xbf16, #tpu.memory_space<hbm>>) dst(%dma_wait3A_173 : memref<128x32xbf16, #tpu.memory_space<vmem>>)
    %dma_wait3A_180 = arith.constant 2 : i32
    %dma_wait3A_181 = arith.constant 256 : i32
    %dma_wait3A_182 = arith.constant 0 : i32
    %dma_wait3A_183 = tpu.memref_slice %arg8[%dma_wait3A_181, %dma_wait3A_182] : memref<2048x32xbf16, #tpu.memory_space<vmem>> -> memref<128x32xbf16, #tpu.memory_space<vmem>>
    %dma_wait3A_184 = arith.constant 0 : i32
    %dma_wait3A_185 = tpu.memref_slice %arg7[%dma_wait3A_180, %dma_wait3A_184] : memref<16x128xi32, #tpu.memory_space<vmem>> -> memref<1x128xi32, #tpu.memory_space<vmem>>
    %dma_wait3A_186 = tpu.memref_squeeze %dma_wait3A_185 : memref<1x128xi32, #tpu.memory_space<vmem>> -> memref<128xi32, #tpu.memory_space<vmem>>
    %dma_wait3A_187 = arith.constant 0 : i32
    %dma_wait3A_188 = arith.constant 0 : i32
    %dma_wait3A_189 = tpu.memref_slice %arg3[%dma_wait3A_187, %dma_wait3A_188] : memref<1000000x32xbf16, #tpu.memory_space<hbm>> -> memref<1000000x32xbf16, #tpu.memory_space<hbm>>
    tpu.wait_indirect_dma semaphore(%arg12 : memref<!tpu.dma_semaphore, #tpu.memory_space<semaphore_mem>>) src(%dma_wait3A_189 : memref<1000000x32xbf16, #tpu.memory_space<hbm>>) dst(%dma_wait3A_183 : memref<128x32xbf16, #tpu.memory_space<vmem>>)
    %dma_wait3A_190 = arith.constant 3 : i32
    %dma_wait3A_191 = arith.constant 384 : i32
    %dma_wait3A_192 = arith.constant 0 : i32
    %dma_wait3A_193 = tpu.memref_slice %arg8[%dma_wait3A_191, %dma_wait3A_192] : memref<2048x32xbf16, #tpu.memory_space<vmem>> -> memref<128x32xbf16, #tpu.memory_space<vmem>>
    %dma_wait3A_194 = arith.constant 0 : i32
    %dma_wait3A_195 = tpu.memref_slice %arg7[%dma_wait3A_190, %dma_wait3A_194] : memref<16x128xi32, #tpu.memory_space<vmem>> -> memref<1x128xi32, #tpu.memory_space<vmem>>
    %dma_wait3A_196 = tpu.memref_squeeze %dma_wait3A_195 : memref<1x128xi32, #tpu.memory_space<vmem>> -> memref<128xi32, #tpu.memory_space<vmem>>
    %dma_wait3A_197 = arith.constant 0 : i32
    %dma_wait3A_198 = arith.constant 0 : i32
    %dma_wait3A_199 = tpu.memref_slice %arg3[%dma_wait3A_197, %dma_wait3A_198] : memref<1000000x32xbf16, #tpu.memory_space<hbm>> -> memref<1000000x32xbf16, #tpu.memory_space<hbm>>
    tpu.wait_indirect_dma semaphore(%arg12 : memref<!tpu.dma_semaphore, #tpu.memory_space<semaphore_mem>>) src(%dma_wait3A_199 : memref<1000000x32xbf16, #tpu.memory_space<hbm>>) dst(%dma_wait3A_193 : memref<128x32xbf16, #tpu.memory_space<vmem>>)
    %scan3A = arith.constant 0 : i32
    %scan3A_200 = arith.constant 0 : i32
    %scan3A_201 = arith.constant 512 : i32
    %scan3A_202 = arith.addi %scan3A_200, %scan3A_201 : i32
    %scan3A_203 = arith.constant 4 : i32
    scf.for %scan3A_343 = %scan3A_200 to %scan3A_202 step %scan3A_203  : i32 {
      %add3A_344 = arith.constant 0 : i32
      %add3A_345 = arith.addi %add3A_344, %scan3A_343 : i32
      %get3A = arith.index_cast %add3A_345 : i32 to index
      %get3A_346 = arith.constant 0 : index
      %get3A_347 = tpu.vector_load %arg8[%get3A, %get3A_346] {strides = array<i32>} : memref<2048x32xbf16, #tpu.memory_space<vmem>>, vector<32xbf16>,
      %bitcast3A = vector.bitcast %get3A_347 : vector<32xbf16> to vector<16xi32>
      %shift_left3A = arith.constant 16 : i32
      %shift_left3A_348 = vector.broadcast %shift_left3A : i32 to vector<16xi32>
      %shift_left3A_349 = arith.shli %bitcast3A, %shift_left3A_348 : vector<16xi32>
      %bitcast3A_350 = vector.bitcast %shift_left3A_349 : vector<16xi32> to vector<16xf32>
      %and3A = arith.andi %bitcast3A, %broadcast_in_dim3A_160 : vector<16xi32>
      %bitcast3A_351 = vector.bitcast %and3A : vector<16xi32> to vector<16xf32>
      %get3A_352 = arith.index_cast %scan3A_343 : i32 to index
      %get3A_353 = arith.constant 0 : index
      %get3A_354 = tpu.vector_load %arg10[%get3A_352, %get3A_353] {strides = array<i32>} : memref<512x16xf32, #tpu.memory_space<vmem>>, vector<16xf32>,
      %add3A_355 = arith.addf %bitcast3A_350, %get3A_354 : vector<16xf32>
      %swap3A = arith.constant 0 : i32
      %swap3A_356 = arith.index_cast %add3A_345 : i32 to index
      %swap3A_357 = arith.index_cast %swap3A : i32 to index
      %swap3A_358 = arith.constant 0 : index
      %swap3A_359 = tpu.vector_load %arg9[%swap3A_356, %swap3A_357, %swap3A_358] {strides = array<i32>} : memref<2048x2x16xf32, #tpu.memory_space<vmem>>, vector<16xf32>,
      tpu.vector_store %arg9[%swap3A_356, %swap3A_357, %swap3A_358], %add3A_355 {strides = array<i32>} : memref<2048x2x16xf32, #tpu.memory_space<vmem>>, vector<16xf32>,
      %get3A_360 = arith.index_cast %scan3A_343 : i32 to index
      %get3A_361 = arith.constant 0 : index
      %get3A_362 = tpu.vector_load %arg11[%get3A_360, %get3A_361] {strides = array<i32>} : memref<512x16xf32, #tpu.memory_space<vmem>>, vector<16xf32>,
      %add3A_363 = arith.addf %bitcast3A_351, %get3A_362 : vector<16xf32>
      %swap3A_364 = arith.constant 1 : i32
      %swap3A_365 = arith.index_cast %add3A_345 : i32 to index
      %swap3A_366 = arith.index_cast %swap3A_364 : i32 to index
      %swap3A_367 = arith.constant 0 : index
      %swap3A_368 = tpu.vector_load %arg9[%swap3A_365, %swap3A_366, %swap3A_367] {strides = array<i32>} : memref<2048x2x16xf32, #tpu.memory_space<vmem>>, vector<16xf32>,
      tpu.vector_store %arg9[%swap3A_365, %swap3A_366, %swap3A_367], %add3A_363 {strides = array<i32>} : memref<2048x2x16xf32, #tpu.memory_space<vmem>>, vector<16xf32>,
      %scan3A_369 = arith.constant 1 : i32
      %scan3A_370 = arith.addi %scan3A_343, %scan3A_369 : i32
      %add3A_371 = arith.constant 0 : i32
      %add3A_372 = arith.addi %add3A_371, %scan3A_370 : i32
      %get3A_373 = arith.index_cast %add3A_372 : i32 to index
      %get3A_374 = arith.constant 0 : index
      %get3A_375 = tpu.vector_load %arg8[%get3A_373, %get3A_374] {strides = array<i32>} : memref<2048x32xbf16, #tpu.memory_space<vmem>>, vector<32xbf16>,
      %bitcast3A_376 = vector.bitcast %get3A_375 : vector<32xbf16> to vector<16xi32>
      %shift_left3A_377 = arith.constant 16 : i32
      %shift_left3A_378 = vector.broadcast %shift_left3A_377 : i32 to vector<16xi32>
      %shift_left3A_379 = arith.shli %bitcast3A_376, %shift_left3A_378 : vector<16xi32>
      %bitcast3A_380 = vector.bitcast %shift_left3A_379 : vector<16xi32> to vector<16xf32>
      %and3A_381 = arith.andi %bitcast3A_376, %broadcast_in_dim3A_160 : vector<16xi32>
      %bitcast3A_382 = vector.bitcast %and3A_381 : vector<16xi32> to vector<16xf32>
      %get3A_383 = arith.index_cast %scan3A_370 : i32 to index
      %get3A_384 = arith.constant 0 : index
      %get3A_385 = tpu.vector_load %arg10[%get3A_383, %get3A_384] {strides = array<i32>} : memref<512x16xf32, #tpu.memory_space<vmem>>, vector<16xf32>,
      %add3A_386 = arith.addf %bitcast3A_380, %get3A_385 : vector<16xf32>
      %swap3A_387 = arith.constant 0 : i32
      %swap3A_388 = arith.index_cast %add3A_372 : i32 to index
      %swap3A_389 = arith.index_cast %swap3A_387 : i32 to index
      %swap3A_390 = arith.constant 0 : index
      %swap3A_391 = tpu.vector_load %arg9[%swap3A_388, %swap3A_389, %swap3A_390] {strides = array<i32>} : memref<2048x2x16xf32, #tpu.memory_space<vmem>>, vector<16xf32>,
      tpu.vector_store %arg9[%swap3A_388, %swap3A_389, %swap3A_390], %add3A_386 {strides = array<i32>} : memref<2048x2x16xf32, #tpu.memory_space<vmem>>, vector<16xf32>,
      %get3A_392 = arith.index_cast %scan3A_370 : i32 to index
      %get3A_393 = arith.constant 0 : index
      %get3A_394 = tpu.vector_load %arg11[%get3A_392, %get3A_393] {strides = array<i32>} : memref<512x16xf32, #tpu.memory_space<vmem>>, vector<16xf32>,
      %add3A_395 = arith.addf %bitcast3A_382, %get3A_394 : vector<16xf32>
      %swap3A_396 = arith.constant 1 : i32
      %swap3A_397 = arith.index_cast %add3A_372 : i32 to index
      %swap3A_398 = arith.index_cast %swap3A_396 : i32 to index
      %swap3A_399 = arith.constant 0 : index
      %swap3A_400 = tpu.vector_load %arg9[%swap3A_397, %swap3A_398, %swap3A_399] {strides = array<i32>} : memref<2048x2x16xf32, #tpu.memory_space<vmem>>, vector<16xf32>,
      tpu.vector_store %arg9[%swap3A_397, %swap3A_398, %swap3A_399], %add3A_395 {strides = array<i32>} : memref<2048x2x16xf32, #tpu.memory_space<vmem>>, vector<16xf32>,
      %scan3A_401 = arith.constant 2 : i32
      %scan3A_402 = arith.addi %scan3A_343, %scan3A_401 : i32
      %add3A_403 = arith.constant 0 : i32
      %add3A_404 = arith.addi %add3A_403, %scan3A_402 : i32
      %get3A_405 = arith.index_cast %add3A_404 : i32 to index
      %get3A_406 = arith.constant 0 : index
      %get3A_407 = tpu.vector_load %arg8[%get3A_405, %get3A_406] {strides = array<i32>} : memref<2048x32xbf16, #tpu.memory_space<vmem>>, vector<32xbf16>,
      %bitcast3A_408 = vector.bitcast %get3A_407 : vector<32xbf16> to vector<16xi32>
      %shift_left3A_409 = arith.constant 16 : i32
      %shift_left3A_410 = vector.broadcast %shift_left3A_409 : i32 to vector<16xi32>
      %shift_left3A_411 = arith.shli %bitcast3A_408, %shift_left3A_410 : vector<16xi32>
      %bitcast3A_412 = vector.bitcast %shift_left3A_411 : vector<16xi32> to vector<16xf32>
      %and3A_413 = arith.andi %bitcast3A_408, %broadcast_in_dim3A_160 : vector<16xi32>
      %bitcast3A_414 = vector.bitcast %and3A_413 : vector<16xi32> to vector<16xf32>
      %get3A_415 = arith.index_cast %scan3A_402 : i32 to index
      %get3A_416 = arith.constant 0 : index
      %get3A_417 = tpu.vector_load %arg10[%get3A_415, %get3A_416] {strides = array<i32>} : memref<512x16xf32, #tpu.memory_space<vmem>>, vector<16xf32>,
      %add3A_418 = arith.addf %bitcast3A_412, %get3A_417 : vector<16xf32>
      %swap3A_419 = arith.constant 0 : i32
      %swap3A_420 = arith.index_cast %add3A_404 : i32 to index
      %swap3A_421 = arith.index_cast %swap3A_419 : i32 to index
      %swap3A_422 = arith.constant 0 : index
      %swap3A_423 = tpu.vector_load %arg9[%swap3A_420, %swap3A_421, %swap3A_422] {strides = array<i32>} : memref<2048x2x16xf32, #tpu.memory_space<vmem>>, vector<16xf32>,
      tpu.vector_store %arg9[%swap3A_420, %swap3A_421, %swap3A_422], %add3A_418 {strides = array<i32>} : memref<2048x2x16xf32, #tpu.memory_space<vmem>>, vector<16xf32>,
      %get3A_424 = arith.index_cast %scan3A_402 : i32 to index
      %get3A_425 = arith.constant 0 : index
      %get3A_426 = tpu.vector_load %arg11[%get3A_424, %get3A_425] {strides = array<i32>} : memref<512x16xf32, #tpu.memory_space<vmem>>, vector<16xf32>,
      %add3A_427 = arith.addf %bitcast3A_414, %get3A_426 : vector<16xf32>
      %swap3A_428 = arith.constant 1 : i32
      %swap3A_429 = arith.index_cast %add3A_404 : i32 to index
      %swap3A_430 = arith.index_cast %swap3A_428 : i32 to index
      %swap3A_431 = arith.constant 0 : index
      %swap3A_432 = tpu.vector_load %arg9[%swap3A_429, %swap3A_430, %swap3A_431] {strides = array<i32>} : memref<2048x2x16xf32, #tpu.memory_space<vmem>>, vector<16xf32>,
      tpu.vector_store %arg9[%swap3A_429, %swap3A_430, %swap3A_431], %add3A_427 {strides = array<i32>} : memref<2048x2x16xf32, #tpu.memory_space<vmem>>, vector<16xf32>,
      %scan3A_433 = arith.constant 3 : i32
      %scan3A_434 = arith.addi %scan3A_343, %scan3A_433 : i32
      %add3A_435 = arith.constant 0 : i32
      %add3A_436 = arith.addi %add3A_435, %scan3A_434 : i32
      %get3A_437 = arith.index_cast %add3A_436 : i32 to index
      %get3A_438 = arith.constant 0 : index
      %get3A_439 = tpu.vector_load %arg8[%get3A_437, %get3A_438] {strides = array<i32>} : memref<2048x32xbf16, #tpu.memory_space<vmem>>, vector<32xbf16>,
      %bitcast3A_440 = vector.bitcast %get3A_439 : vector<32xbf16> to vector<16xi32>
      %shift_left3A_441 = arith.constant 16 : i32
      %shift_left3A_442 = vector.broadcast %shift_left3A_441 : i32 to vector<16xi32>
      %shift_left3A_443 = arith.shli %bitcast3A_440, %shift_left3A_442 : vector<16xi32>
      %bitcast3A_444 = vector.bitcast %shift_left3A_443 : vector<16xi32> to vector<16xf32>
      %and3A_445 = arith.andi %bitcast3A_440, %broadcast_in_dim3A_160 : vector<16xi32>
      %bitcast3A_446 = vector.bitcast %and3A_445 : vector<16xi32> to vector<16xf32>
      %get3A_447 = arith.index_cast %scan3A_434 : i32 to index
      %get3A_448 = arith.constant 0 : index
      %get3A_449 = tpu.vector_load %arg10[%get3A_447, %get3A_448] {strides = array<i32>} : memref<512x16xf32, #tpu.memory_space<vmem>>, vector<16xf32>,
      %add3A_450 = arith.addf %bitcast3A_444, %get3A_449 : vector<16xf32>
      %swap3A_451 = arith.constant 0 : i32
      %swap3A_452 = arith.index_cast %add3A_436 : i32 to index
      %swap3A_453 = arith.index_cast %swap3A_451 : i32 to index
      %swap3A_454 = arith.constant 0 : index
      %swap3A_455 = tpu.vector_load %arg9[%swap3A_452, %swap3A_453, %swap3A_454] {strides = array<i32>} : memref<2048x2x16xf32, #tpu.memory_space<vmem>>, vector<16xf32>,
      tpu.vector_store %arg9[%swap3A_452, %swap3A_453, %swap3A_454], %add3A_450 {strides = array<i32>} : memref<2048x2x16xf32, #tpu.memory_space<vmem>>, vector<16xf32>,
      %get3A_456 = arith.index_cast %scan3A_434 : i32 to index
      %get3A_457 = arith.constant 0 : index
      %get3A_458 = tpu.vector_load %arg11[%get3A_456, %get3A_457] {strides = array<i32>} : memref<512x16xf32, #tpu.memory_space<vmem>>, vector<16xf32>,
      %add3A_459 = arith.addf %bitcast3A_446, %get3A_458 : vector<16xf32>
      %swap3A_460 = arith.constant 1 : i32
      %swap3A_461 = arith.index_cast %add3A_436 : i32 to index
      %swap3A_462 = arith.index_cast %swap3A_460 : i32 to index
      %swap3A_463 = arith.constant 0 : index
      %swap3A_464 = tpu.vector_load %arg9[%swap3A_461, %swap3A_462, %swap3A_463] {strides = array<i32>} : memref<2048x2x16xf32, #tpu.memory_space<vmem>>, vector<16xf32>,
      tpu.vector_store %arg9[%swap3A_461, %swap3A_462, %swap3A_463], %add3A_459 {strides = array<i32>} : memref<2048x2x16xf32, #tpu.memory_space<vmem>>, vector<16xf32>,
    }
    %scan3A_204 = arith.constant 512 : i32
    "tpu.region"() ({
      %run_scoped3A = tpu.sem_alloc : memref<!tpu.dma_semaphore, #tpu.memory_space<semaphore_mem>>
      %dma_start3A_343 = arith.constant 512 : i32
      %dma_start3A_344 = arith.constant 0 : i32
      %dma_start3A_345 = tpu.memref_slice %arg4[%dma_start3A_343, %dma_start3A_344] : memref<2048x16xf32, #tpu.memory_space<hbm>> -> memref<512x16xf32, #tpu.memory_space<hbm>>
      %dma_start3A_346 = arith.constant 512 : i32
      %dma_start3A_347 = arith.constant 0 : i32
      %dma_start3A_348 = tpu.memref_slice %arg4[%dma_start3A_346, %dma_start3A_347] : memref<2048x16xf32, #tpu.memory_space<hbm>> -> memref<512x16xf32, #tpu.memory_space<hbm>>
      tpu.enqueue_dma source(%dma_start3A_348 : memref<512x16xf32, #tpu.memory_space<hbm>>) target(%arg10 : memref<512x16xf32, #tpu.memory_space<vmem>>) target_semaphore(%run_scoped3A : memref<!tpu.dma_semaphore, #tpu.memory_space<semaphore_mem>>)
      %dma_wait3A_349 = arith.constant 512 : i32
      %dma_wait3A_350 = arith.constant 0 : i32
      %dma_wait3A_351 = tpu.memref_slice %arg4[%dma_wait3A_349, %dma_wait3A_350] : memref<2048x16xf32, #tpu.memory_space<hbm>> -> memref<512x16xf32, #tpu.memory_space<hbm>>
      %dma_wait3A_352 = arith.constant 512 : i32
      %dma_wait3A_353 = arith.constant 0 : i32
      %dma_wait3A_354 = tpu.memref_slice %arg4[%dma_wait3A_352, %dma_wait3A_353] : memref<2048x16xf32, #tpu.memory_space<hbm>> -> memref<512x16xf32, #tpu.memory_space<hbm>>
      tpu.wait_dma2 semaphore(%run_scoped3A : memref<!tpu.dma_semaphore, #tpu.memory_space<semaphore_mem>>) src(%dma_wait3A_354 : memref<512x16xf32, #tpu.memory_space<hbm>>) dst(%arg10 : memref<512x16xf32, #tpu.memory_space<vmem>>)
      tpu.yield
    }) : () -> ()
    "tpu.region"() ({
      %run_scoped3A = tpu.sem_alloc : memref<!tpu.dma_semaphore, #tpu.memory_space<semaphore_mem>>
      %dma_start3A_343 = arith.constant 512 : i32
      %dma_start3A_344 = arith.constant 0 : i32
      %dma_start3A_345 = tpu.memref_slice %arg5[%dma_start3A_343, %dma_start3A_344] : memref<2048x16xf32, #tpu.memory_space<hbm>> -> memref<512x16xf32, #tpu.memory_space<hbm>>
      %dma_start3A_346 = arith.constant 512 : i32
      %dma_start3A_347 = arith.constant 0 : i32
      %dma_start3A_348 = tpu.memref_slice %arg5[%dma_start3A_346, %dma_start3A_347] : memref<2048x16xf32, #tpu.memory_space<hbm>> -> memref<512x16xf32, #tpu.memory_space<hbm>>
      tpu.enqueue_dma source(%dma_start3A_348 : memref<512x16xf32, #tpu.memory_space<hbm>>) target(%arg11 : memref<512x16xf32, #tpu.memory_space<vmem>>) target_semaphore(%run_scoped3A : memref<!tpu.dma_semaphore, #tpu.memory_space<semaphore_mem>>)
      %dma_wait3A_349 = arith.constant 512 : i32
      %dma_wait3A_350 = arith.constant 0 : i32
      %dma_wait3A_351 = tpu.memref_slice %arg5[%dma_wait3A_349, %dma_wait3A_350] : memref<2048x16xf32, #tpu.memory_space<hbm>> -> memref<512x16xf32, #tpu.memory_space<hbm>>
      %dma_wait3A_352 = arith.constant 512 : i32
      %dma_wait3A_353 = arith.constant 0 : i32
      %dma_wait3A_354 = tpu.memref_slice %arg5[%dma_wait3A_352, %dma_wait3A_353] : memref<2048x16xf32, #tpu.memory_space<hbm>> -> memref<512x16xf32, #tpu.memory_space<hbm>>
      tpu.wait_dma2 semaphore(%run_scoped3A : memref<!tpu.dma_semaphore, #tpu.memory_space<semaphore_mem>>) src(%dma_wait3A_354 : memref<512x16xf32, #tpu.memory_space<hbm>>) dst(%arg11 : memref<512x16xf32, #tpu.memory_space<vmem>>)
      tpu.yield
    }) : () -> ()
    %dma_wait3A_205 = arith.constant 4 : i32
    %dma_wait3A_206 = arith.constant 512 : i32
    %dma_wait3A_207 = arith.constant 0 : i32
    %dma_wait3A_208 = tpu.memref_slice %arg8[%dma_wait3A_206, %dma_wait3A_207] : memref<2048x32xbf16, #tpu.memory_space<vmem>> -> memref<128x32xbf16, #tpu.memory_space<vmem>>
    %dma_wait3A_209 = arith.constant 0 : i32
    %dma_wait3A_210 = tpu.memref_slice %arg7[%dma_wait3A_205, %dma_wait3A_209] : memref<16x128xi32, #tpu.memory_space<vmem>> -> memref<1x128xi32, #tpu.memory_space<vmem>>
    %dma_wait3A_211 = tpu.memref_squeeze %dma_wait3A_210 : memref<1x128xi32, #tpu.memory_space<vmem>> -> memref<128xi32, #tpu.memory_space<vmem>>
    %dma_wait3A_212 = arith.constant 0 : i32
    %dma_wait3A_213 = arith.constant 0 : i32
    %dma_wait3A_214 = tpu.memref_slice %arg3[%dma_wait3A_212, %dma_wait3A_213] : memref<1000000x32xbf16, #tpu.memory_space<hbm>> -> memref<1000000x32xbf16, #tpu.memory_space<hbm>>
    tpu.wait_indirect_dma semaphore(%arg12 : memref<!tpu.dma_semaphore, #tpu.memory_space<semaphore_mem>>) src(%dma_wait3A_214 : memref<1000000x32xbf16, #tpu.memory_space<hbm>>) dst(%dma_wait3A_208 : memref<128x32xbf16, #tpu.memory_space<vmem>>)
    %dma_wait3A_215 = arith.constant 5 : i32
    %dma_wait3A_216 = arith.constant 640 : i32
    %dma_wait3A_217 = arith.constant 0 : i32
    %dma_wait3A_218 = tpu.memref_slice %arg8[%dma_wait3A_216, %dma_wait3A_217] : memref<2048x32xbf16, #tpu.memory_space<vmem>> -> memref<128x32xbf16, #tpu.memory_space<vmem>>
    %dma_wait3A_219 = arith.constant 0 : i32
    %dma_wait3A_220 = tpu.memref_slice %arg7[%dma_wait3A_215, %dma_wait3A_219] : memref<16x128xi32, #tpu.memory_space<vmem>> -> memref<1x128xi32, #tpu.memory_space<vmem>>
    %dma_wait3A_221 = tpu.memref_squeeze %dma_wait3A_220 : memref<1x128xi32, #tpu.memory_space<vmem>> -> memref<128xi32, #tpu.memory_space<vmem>>
    %dma_wait3A_222 = arith.constant 0 : i32
    %dma_wait3A_223 = arith.constant 0 : i32
    %dma_wait3A_224 = tpu.memref_slice %arg3[%dma_wait3A_222, %dma_wait3A_223] : memref<1000000x32xbf16, #tpu.memory_space<hbm>> -> memref<1000000x32xbf16, #tpu.memory_space<hbm>>
    tpu.wait_indirect_dma semaphore(%arg12 : memref<!tpu.dma_semaphore, #tpu.memory_space<semaphore_mem>>) src(%dma_wait3A_224 : memref<1000000x32xbf16, #tpu.memory_space<hbm>>) dst(%dma_wait3A_218 : memref<128x32xbf16, #tpu.memory_space<vmem>>)
    %dma_wait3A_225 = arith.constant 6 : i32
    %dma_wait3A_226 = arith.constant 768 : i32
    %dma_wait3A_227 = arith.constant 0 : i32
    %dma_wait3A_228 = tpu.memref_slice %arg8[%dma_wait3A_226, %dma_wait3A_227] : memref<2048x32xbf16, #tpu.memory_space<vmem>> -> memref<128x32xbf16, #tpu.memory_space<vmem>>
    %dma_wait3A_229 = arith.constant 0 : i32
    %dma_wait3A_230 = tpu.memref_slice %arg7[%dma_wait3A_225, %dma_wait3A_229] : memref<16x128xi32, #tpu.memory_space<vmem>> -> memref<1x128xi32, #tpu.memory_space<vmem>>
    %dma_wait3A_231 = tpu.memref_squeeze %dma_wait3A_230 : memref<1x128xi32, #tpu.memory_space<vmem>> -> memref<128xi32, #tpu.memory_space<vmem>>
    %dma_wait3A_232 = arith.constant 0 : i32
    %dma_wait3A_233 = arith.constant 0 : i32
    %dma_wait3A_234 = tpu.memref_slice %arg3[%dma_wait3A_232, %dma_wait3A_233] : memref<1000000x32xbf16, #tpu.memory_space<hbm>> -> memref<1000000x32xbf16, #tpu.memory_space<hbm>>
    tpu.wait_indirect_dma semaphore(%arg12 : memref<!tpu.dma_semaphore, #tpu.memory_space<semaphore_mem>>) src(%dma_wait3A_234 : memref<1000000x32xbf16, #tpu.memory_space<hbm>>) dst(%dma_wait3A_228 : memref<128x32xbf16, #tpu.memory_space<vmem>>)
    %dma_wait3A_235 = arith.constant 7 : i32
    %dma_wait3A_236 = arith.constant 896 : i32
    %dma_wait3A_237 = arith.constant 0 : i32
    %dma_wait3A_238 = tpu.memref_slice %arg8[%dma_wait3A_236, %dma_wait3A_237] : memref<2048x32xbf16, #tpu.memory_space<vmem>> -> memref<128x32xbf16, #tpu.memory_space<vmem>>
    %dma_wait3A_239 = arith.constant 0 : i32
    %dma_wait3A_240 = tpu.memref_slice %arg7[%dma_wait3A_235, %dma_wait3A_239] : memref<16x128xi32, #tpu.memory_space<vmem>> -> memref<1x128xi32, #tpu.memory_space<vmem>>
    %dma_wait3A_241 = tpu.memref_squeeze %dma_wait3A_240 : memref<1x128xi32, #tpu.memory_space<vmem>> -> memref<128xi32, #tpu.memory_space<vmem>>
    %dma_wait3A_242 = arith.constant 0 : i32
    %dma_wait3A_243 = arith.constant 0 : i32
    %dma_wait3A_244 = tpu.memref_slice %arg3[%dma_wait3A_242, %dma_wait3A_243] : memref<1000000x32xbf16, #tpu.memory_space<hbm>> -> memref<1000000x32xbf16, #tpu.memory_space<hbm>>
    tpu.wait_indirect_dma semaphore(%arg12 : memref<!tpu.dma_semaphore, #tpu.memory_space<semaphore_mem>>) src(%dma_wait3A_244 : memref<1000000x32xbf16, #tpu.memory_space<hbm>>) dst(%dma_wait3A_238 : memref<128x32xbf16, #tpu.memory_space<vmem>>)
    %scan3A_245 = arith.constant 0 : i32
    %scan3A_246 = arith.constant 0 : i32
    %scan3A_247 = arith.constant 512 : i32
    %scan3A_248 = arith.addi %scan3A_246, %scan3A_247 : i32
    %scan3A_249 = arith.constant 4 : i32
    scf.for %scan3A_343 = %scan3A_246 to %scan3A_248 step %scan3A_249  : i32 {
      %add3A_344 = arith.constant 512 : i32
      %add3A_345 = arith.addi %add3A_344, %scan3A_343 : i32
      %get3A = arith.index_cast %add3A_345 : i32 to index
      %get3A_346 = arith.constant 0 : index
      %get3A_347 = tpu.vector_load %arg8[%get3A, %get3A_346] {strides = array<i32>} : memref<2048x32xbf16, #tpu.memory_space<vmem>>, vector<32xbf16>,
      %bitcast3A = vector.bitcast %get3A_347 : vector<32xbf16> to vector<16xi32>
      %shift_left3A = arith.constant 16 : i32
      %shift_left3A_348 = vector.broadcast %shift_left3A : i32 to vector<16xi32>
      %shift_left3A_349 = arith.shli %bitcast3A, %shift_left3A_348 : vector<16xi32>
      %bitcast3A_350 = vector.bitcast %shift_left3A_349 : vector<16xi32> to vector<16xf32>
      %and3A = arith.andi %bitcast3A, %broadcast_in_dim3A_160 : vector<16xi32>
      %bitcast3A_351 = vector.bitcast %and3A : vector<16xi32> to vector<16xf32>
      %get3A_352 = arith.index_cast %scan3A_343 : i32 to index
      %get3A_353 = arith.constant 0 : index
      %get3A_354 = tpu.vector_load %arg10[%get3A_352, %get3A_353] {strides = array<i32>} : memref<512x16xf32, #tpu.memory_space<vmem>>, vector<16xf32>,
      %add3A_355 = arith.addf %bitcast3A_350, %get3A_354 : vector<16xf32>
      %swap3A = arith.constant 0 : i32
      %swap3A_356 = arith.index_cast %add3A_345 : i32 to index
      %swap3A_357 = arith.index_cast %swap3A : i32 to index
      %swap3A_358 = arith.constant 0 : index
      %swap3A_359 = tpu.vector_load %arg9[%swap3A_356, %swap3A_357, %swap3A_358] {strides = array<i32>} : memref<2048x2x16xf32, #tpu.memory_space<vmem>>, vector<16xf32>,
      tpu.vector_store %arg9[%swap3A_356, %swap3A_357, %swap3A_358], %add3A_355 {strides = array<i32>} : memref<2048x2x16xf32, #tpu.memory_space<vmem>>, vector<16xf32>,
      %get3A_360 = arith.index_cast %scan3A_343 : i32 to index
      %get3A_361 = arith.constant 0 : index
      %get3A_362 = tpu.vector_load %arg11[%get3A_360, %get3A_361] {strides = array<i32>} : memref<512x16xf32, #tpu.memory_space<vmem>>, vector<16xf32>,
      %add3A_363 = arith.addf %bitcast3A_351, %get3A_362 : vector<16xf32>
      %swap3A_364 = arith.constant 1 : i32
      %swap3A_365 = arith.index_cast %add3A_345 : i32 to index
      %swap3A_366 = arith.index_cast %swap3A_364 : i32 to index
      %swap3A_367 = arith.constant 0 : index
      %swap3A_368 = tpu.vector_load %arg9[%swap3A_365, %swap3A_366, %swap3A_367] {strides = array<i32>} : memref<2048x2x16xf32, #tpu.memory_space<vmem>>, vector<16xf32>,
      tpu.vector_store %arg9[%swap3A_365, %swap3A_366, %swap3A_367], %add3A_363 {strides = array<i32>} : memref<2048x2x16xf32, #tpu.memory_space<vmem>>, vector<16xf32>,
      %scan3A_369 = arith.constant 1 : i32
      %scan3A_370 = arith.addi %scan3A_343, %scan3A_369 : i32
      %add3A_371 = arith.constant 512 : i32
      %add3A_372 = arith.addi %add3A_371, %scan3A_370 : i32
      %get3A_373 = arith.index_cast %add3A_372 : i32 to index
      %get3A_374 = arith.constant 0 : index
      %get3A_375 = tpu.vector_load %arg8[%get3A_373, %get3A_374] {strides = array<i32>} : memref<2048x32xbf16, #tpu.memory_space<vmem>>, vector<32xbf16>,
      %bitcast3A_376 = vector.bitcast %get3A_375 : vector<32xbf16> to vector<16xi32>
      %shift_left3A_377 = arith.constant 16 : i32
      %shift_left3A_378 = vector.broadcast %shift_left3A_377 : i32 to vector<16xi32>
      %shift_left3A_379 = arith.shli %bitcast3A_376, %shift_left3A_378 : vector<16xi32>
      %bitcast3A_380 = vector.bitcast %shift_left3A_379 : vector<16xi32> to vector<16xf32>
      %and3A_381 = arith.andi %bitcast3A_376, %broadcast_in_dim3A_160 : vector<16xi32>
      %bitcast3A_382 = vector.bitcast %and3A_381 : vector<16xi32> to vector<16xf32>
      %get3A_383 = arith.index_cast %scan3A_370 : i32 to index
      %get3A_384 = arith.constant 0 : index
      %get3A_385 = tpu.vector_load %arg10[%get3A_383, %get3A_384] {strides = array<i32>} : memref<512x16xf32, #tpu.memory_space<vmem>>, vector<16xf32>,
      %add3A_386 = arith.addf %bitcast3A_380, %get3A_385 : vector<16xf32>
      %swap3A_387 = arith.constant 0 : i32
      %swap3A_388 = arith.index_cast %add3A_372 : i32 to index
      %swap3A_389 = arith.index_cast %swap3A_387 : i32 to index
      %swap3A_390 = arith.constant 0 : index
      %swap3A_391 = tpu.vector_load %arg9[%swap3A_388, %swap3A_389, %swap3A_390] {strides = array<i32>} : memref<2048x2x16xf32, #tpu.memory_space<vmem>>, vector<16xf32>,
      tpu.vector_store %arg9[%swap3A_388, %swap3A_389, %swap3A_390], %add3A_386 {strides = array<i32>} : memref<2048x2x16xf32, #tpu.memory_space<vmem>>, vector<16xf32>,
      %get3A_392 = arith.index_cast %scan3A_370 : i32 to index
      %get3A_393 = arith.constant 0 : index
      %get3A_394 = tpu.vector_load %arg11[%get3A_392, %get3A_393] {strides = array<i32>} : memref<512x16xf32, #tpu.memory_space<vmem>>, vector<16xf32>,
      %add3A_395 = arith.addf %bitcast3A_382, %get3A_394 : vector<16xf32>
      %swap3A_396 = arith.constant 1 : i32
      %swap3A_397 = arith.index_cast %add3A_372 : i32 to index
      %swap3A_398 = arith.index_cast %swap3A_396 : i32 to index
      %swap3A_399 = arith.constant 0 : index
      %swap3A_400 = tpu.vector_load %arg9[%swap3A_397, %swap3A_398, %swap3A_399] {strides = array<i32>} : memref<2048x2x16xf32, #tpu.memory_space<vmem>>, vector<16xf32>,
      tpu.vector_store %arg9[%swap3A_397, %swap3A_398, %swap3A_399], %add3A_395 {strides = array<i32>} : memref<2048x2x16xf32, #tpu.memory_space<vmem>>, vector<16xf32>,
      %scan3A_401 = arith.constant 2 : i32
      %scan3A_402 = arith.addi %scan3A_343, %scan3A_401 : i32
      %add3A_403 = arith.constant 512 : i32
      %add3A_404 = arith.addi %add3A_403, %scan3A_402 : i32
      %get3A_405 = arith.index_cast %add3A_404 : i32 to index
      %get3A_406 = arith.constant 0 : index
      %get3A_407 = tpu.vector_load %arg8[%get3A_405, %get3A_406] {strides = array<i32>} : memref<2048x32xbf16, #tpu.memory_space<vmem>>, vector<32xbf16>,
      %bitcast3A_408 = vector.bitcast %get3A_407 : vector<32xbf16> to vector<16xi32>
      %shift_left3A_409 = arith.constant 16 : i32
      %shift_left3A_410 = vector.broadcast %shift_left3A_409 : i32 to vector<16xi32>
      %shift_left3A_411 = arith.shli %bitcast3A_408, %shift_left3A_410 : vector<16xi32>
      %bitcast3A_412 = vector.bitcast %shift_left3A_411 : vector<16xi32> to vector<16xf32>
      %and3A_413 = arith.andi %bitcast3A_408, %broadcast_in_dim3A_160 : vector<16xi32>
      %bitcast3A_414 = vector.bitcast %and3A_413 : vector<16xi32> to vector<16xf32>
      %get3A_415 = arith.index_cast %scan3A_402 : i32 to index
      %get3A_416 = arith.constant 0 : index
      %get3A_417 = tpu.vector_load %arg10[%get3A_415, %get3A_416] {strides = array<i32>} : memref<512x16xf32, #tpu.memory_space<vmem>>, vector<16xf32>,
      %add3A_418 = arith.addf %bitcast3A_412, %get3A_417 : vector<16xf32>
      %swap3A_419 = arith.constant 0 : i32
      %swap3A_420 = arith.index_cast %add3A_404 : i32 to index
      %swap3A_421 = arith.index_cast %swap3A_419 : i32 to index
      %swap3A_422 = arith.constant 0 : index
      %swap3A_423 = tpu.vector_load %arg9[%swap3A_420, %swap3A_421, %swap3A_422] {strides = array<i32>} : memref<2048x2x16xf32, #tpu.memory_space<vmem>>, vector<16xf32>,
      tpu.vector_store %arg9[%swap3A_420, %swap3A_421, %swap3A_422], %add3A_418 {strides = array<i32>} : memref<2048x2x16xf32, #tpu.memory_space<vmem>>, vector<16xf32>,
      %get3A_424 = arith.index_cast %scan3A_402 : i32 to index
      %get3A_425 = arith.constant 0 : index
      %get3A_426 = tpu.vector_load %arg11[%get3A_424, %get3A_425] {strides = array<i32>} : memref<512x16xf32, #tpu.memory_space<vmem>>, vector<16xf32>,
      %add3A_427 = arith.addf %bitcast3A_414, %get3A_426 : vector<16xf32>
      %swap3A_428 = arith.constant 1 : i32
      %swap3A_429 = arith.index_cast %add3A_404 : i32 to index
      %swap3A_430 = arith.index_cast %swap3A_428 : i32 to index
      %swap3A_431 = arith.constant 0 : index
      %swap3A_432 = tpu.vector_load %arg9[%swap3A_429, %swap3A_430, %swap3A_431] {strides = array<i32>} : memref<2048x2x16xf32, #tpu.memory_space<vmem>>, vector<16xf32>,
      tpu.vector_store %arg9[%swap3A_429, %swap3A_430, %swap3A_431], %add3A_427 {strides = array<i32>} : memref<2048x2x16xf32, #tpu.memory_space<vmem>>, vector<16xf32>,
      %scan3A_433 = arith.constant 3 : i32
      %scan3A_434 = arith.addi %scan3A_343, %scan3A_433 : i32
      %add3A_435 = arith.constant 512 : i32
      %add3A_436 = arith.addi %add3A_435, %scan3A_434 : i32
      %get3A_437 = arith.index_cast %add3A_436 : i32 to index
      %get3A_438 = arith.constant 0 : index
      %get3A_439 = tpu.vector_load %arg8[%get3A_437, %get3A_438] {strides = array<i32>} : memref<2048x32xbf16, #tpu.memory_space<vmem>>, vector<32xbf16>,
      %bitcast3A_440 = vector.bitcast %get3A_439 : vector<32xbf16> to vector<16xi32>
      %shift_left3A_441 = arith.constant 16 : i32
      %shift_left3A_442 = vector.broadcast %shift_left3A_441 : i32 to vector<16xi32>
      %shift_left3A_443 = arith.shli %bitcast3A_440, %shift_left3A_442 : vector<16xi32>
      %bitcast3A_444 = vector.bitcast %shift_left3A_443 : vector<16xi32> to vector<16xf32>
      %and3A_445 = arith.andi %bitcast3A_440, %broadcast_in_dim3A_160 : vector<16xi32>
      %bitcast3A_446 = vector.bitcast %and3A_445 : vector<16xi32> to vector<16xf32>
      %get3A_447 = arith.index_cast %scan3A_434 : i32 to index
      %get3A_448 = arith.constant 0 : index
      %get3A_449 = tpu.vector_load %arg10[%get3A_447, %get3A_448] {strides = array<i32>} : memref<512x16xf32, #tpu.memory_space<vmem>>, vector<16xf32>,
      %add3A_450 = arith.addf %bitcast3A_444, %get3A_449 : vector<16xf32>
      %swap3A_451 = arith.constant 0 : i32
      %swap3A_452 = arith.index_cast %add3A_436 : i32 to index
      %swap3A_453 = arith.index_cast %swap3A_451 : i32 to index
      %swap3A_454 = arith.constant 0 : index
      %swap3A_455 = tpu.vector_load %arg9[%swap3A_452, %swap3A_453, %swap3A_454] {strides = array<i32>} : memref<2048x2x16xf32, #tpu.memory_space<vmem>>, vector<16xf32>,
      tpu.vector_store %arg9[%swap3A_452, %swap3A_453, %swap3A_454], %add3A_450 {strides = array<i32>} : memref<2048x2x16xf32, #tpu.memory_space<vmem>>, vector<16xf32>,
      %get3A_456 = arith.index_cast %scan3A_434 : i32 to index
      %get3A_457 = arith.constant 0 : index
      %get3A_458 = tpu.vector_load %arg11[%get3A_456, %get3A_457] {strides = array<i32>} : memref<512x16xf32, #tpu.memory_space<vmem>>, vector<16xf32>,
      %add3A_459 = arith.addf %bitcast3A_446, %get3A_458 : vector<16xf32>
      %swap3A_460 = arith.constant 1 : i32
      %swap3A_461 = arith.index_cast %add3A_436 : i32 to index
      %swap3A_462 = arith.index_cast %swap3A_460 : i32 to index
      %swap3A_463 = arith.constant 0 : index
      %swap3A_464 = tpu.vector_load %arg9[%swap3A_461, %swap3A_462, %swap3A_463] {strides = array<i32>} : memref<2048x2x16xf32, #tpu.memory_space<vmem>>, vector<16xf32>,
      tpu.vector_store %arg9[%swap3A_461, %swap3A_462, %swap3A_463], %add3A_459 {strides = array<i32>} : memref<2048x2x16xf32, #tpu.memory_space<vmem>>, vector<16xf32>,
    }
    %scan3A_250 = arith.constant 512 : i32
    "tpu.region"() ({
      %run_scoped3A = tpu.sem_alloc : memref<!tpu.dma_semaphore, #tpu.memory_space<semaphore_mem>>
      %dma_start3A_343 = arith.constant 1024 : i32
      %dma_start3A_344 = arith.constant 0 : i32
      %dma_start3A_345 = tpu.memref_slice %arg4[%dma_start3A_343, %dma_start3A_344] : memref<2048x16xf32, #tpu.memory_space<hbm>> -> memref<512x16xf32, #tpu.memory_space<hbm>>
      %dma_start3A_346 = arith.constant 1024 : i32
      %dma_start3A_347 = arith.constant 0 : i32
      %dma_start3A_348 = tpu.memref_slice %arg4[%dma_start3A_346, %dma_start3A_347] : memref<2048x16xf32, #tpu.memory_space<hbm>> -> memref<512x16xf32, #tpu.memory_space<hbm>>
      tpu.enqueue_dma source(%dma_start3A_348 : memref<512x16xf32, #tpu.memory_space<hbm>>) target(%arg10 : memref<512x16xf32, #tpu.memory_space<vmem>>) target_semaphore(%run_scoped3A : memref<!tpu.dma_semaphore, #tpu.memory_space<semaphore_mem>>)
      %dma_wait3A_349 = arith.constant 1024 : i32
      %dma_wait3A_350 = arith.constant 0 : i32
      %dma_wait3A_351 = tpu.memref_slice %arg4[%dma_wait3A_349, %dma_wait3A_350] : memref<2048x16xf32, #tpu.memory_space<hbm>> -> memref<512x16xf32, #tpu.memory_space<hbm>>
      %dma_wait3A_352 = arith.constant 1024 : i32
      %dma_wait3A_353 = arith.constant 0 : i32
      %dma_wait3A_354 = tpu.memref_slice %arg4[%dma_wait3A_352, %dma_wait3A_353] : memref<2048x16xf32, #tpu.memory_space<hbm>> -> memref<512x16xf32, #tpu.memory_space<hbm>>
      tpu.wait_dma2 semaphore(%run_scoped3A : memref<!tpu.dma_semaphore, #tpu.memory_space<semaphore_mem>>) src(%dma_wait3A_354 : memref<512x16xf32, #tpu.memory_space<hbm>>) dst(%arg10 : memref<512x16xf32, #tpu.memory_space<vmem>>)
      tpu.yield
    }) : () -> ()
    "tpu.region"() ({
      %run_scoped3A = tpu.sem_alloc : memref<!tpu.dma_semaphore, #tpu.memory_space<semaphore_mem>>
      %dma_start3A_343 = arith.constant 1024 : i32
      %dma_start3A_344 = arith.constant 0 : i32
      %dma_start3A_345 = tpu.memref_slice %arg5[%dma_start3A_343, %dma_start3A_344] : memref<2048x16xf32, #tpu.memory_space<hbm>> -> memref<512x16xf32, #tpu.memory_space<hbm>>
      %dma_start3A_346 = arith.constant 1024 : i32
      %dma_start3A_347 = arith.constant 0 : i32
      %dma_start3A_348 = tpu.memref_slice %arg5[%dma_start3A_346, %dma_start3A_347] : memref<2048x16xf32, #tpu.memory_space<hbm>> -> memref<512x16xf32, #tpu.memory_space<hbm>>
      tpu.enqueue_dma source(%dma_start3A_348 : memref<512x16xf32, #tpu.memory_space<hbm>>) target(%arg11 : memref<512x16xf32, #tpu.memory_space<vmem>>) target_semaphore(%run_scoped3A : memref<!tpu.dma_semaphore, #tpu.memory_space<semaphore_mem>>)
      %dma_wait3A_349 = arith.constant 1024 : i32
      %dma_wait3A_350 = arith.constant 0 : i32
      %dma_wait3A_351 = tpu.memref_slice %arg5[%dma_wait3A_349, %dma_wait3A_350] : memref<2048x16xf32, #tpu.memory_space<hbm>> -> memref<512x16xf32, #tpu.memory_space<hbm>>
      %dma_wait3A_352 = arith.constant 1024 : i32
      %dma_wait3A_353 = arith.constant 0 : i32
      %dma_wait3A_354 = tpu.memref_slice %arg5[%dma_wait3A_352, %dma_wait3A_353] : memref<2048x16xf32, #tpu.memory_space<hbm>> -> memref<512x16xf32, #tpu.memory_space<hbm>>
      tpu.wait_dma2 semaphore(%run_scoped3A : memref<!tpu.dma_semaphore, #tpu.memory_space<semaphore_mem>>) src(%dma_wait3A_354 : memref<512x16xf32, #tpu.memory_space<hbm>>) dst(%arg11 : memref<512x16xf32, #tpu.memory_space<vmem>>)
      tpu.yield
    }) : () -> ()
    %dma_wait3A_251 = arith.constant 8 : i32
    %dma_wait3A_252 = arith.constant 1024 : i32
    %dma_wait3A_253 = arith.constant 0 : i32
    %dma_wait3A_254 = tpu.memref_slice %arg8[%dma_wait3A_252, %dma_wait3A_253] : memref<2048x32xbf16, #tpu.memory_space<vmem>> -> memref<128x32xbf16, #tpu.memory_space<vmem>>
    %dma_wait3A_255 = arith.constant 0 : i32
    %dma_wait3A_256 = tpu.memref_slice %arg7[%dma_wait3A_251, %dma_wait3A_255] : memref<16x128xi32, #tpu.memory_space<vmem>> -> memref<1x128xi32, #tpu.memory_space<vmem>>
    %dma_wait3A_257 = tpu.memref_squeeze %dma_wait3A_256 : memref<1x128xi32, #tpu.memory_space<vmem>> -> memref<128xi32, #tpu.memory_space<vmem>>
    %dma_wait3A_258 = arith.constant 0 : i32
    %dma_wait3A_259 = arith.constant 0 : i32
    %dma_wait3A_260 = tpu.memref_slice %arg3[%dma_wait3A_258, %dma_wait3A_259] : memref<1000000x32xbf16, #tpu.memory_space<hbm>> -> memref<1000000x32xbf16, #tpu.memory_space<hbm>>
    tpu.wait_indirect_dma semaphore(%arg12 : memref<!tpu.dma_semaphore, #tpu.memory_space<semaphore_mem>>) src(%dma_wait3A_260 : memref<1000000x32xbf16, #tpu.memory_space<hbm>>) dst(%dma_wait3A_254 : memref<128x32xbf16, #tpu.memory_space<vmem>>)
    %dma_wait3A_261 = arith.constant 9 : i32
    %dma_wait3A_262 = arith.constant 1152 : i32
    %dma_wait3A_263 = arith.constant 0 : i32
    %dma_wait3A_264 = tpu.memref_slice %arg8[%dma_wait3A_262, %dma_wait3A_263] : memref<2048x32xbf16, #tpu.memory_space<vmem>> -> memref<128x32xbf16, #tpu.memory_space<vmem>>
    %dma_wait3A_265 = arith.constant 0 : i32
    %dma_wait3A_266 = tpu.memref_slice %arg7[%dma_wait3A_261, %dma_wait3A_265] : memref<16x128xi32, #tpu.memory_space<vmem>> -> memref<1x128xi32, #tpu.memory_space<vmem>>
    %dma_wait3A_267 = tpu.memref_squeeze %dma_wait3A_266 : memref<1x128xi32, #tpu.memory_space<vmem>> -> memref<128xi32, #tpu.memory_space<vmem>>
    %dma_wait3A_268 = arith.constant 0 : i32
    %dma_wait3A_269 = arith.constant 0 : i32
    %dma_wait3A_270 = tpu.memref_slice %arg3[%dma_wait3A_268, %dma_wait3A_269] : memref<1000000x32xbf16, #tpu.memory_space<hbm>> -> memref<1000000x32xbf16, #tpu.memory_space<hbm>>
    tpu.wait_indirect_dma semaphore(%arg12 : memref<!tpu.dma_semaphore, #tpu.memory_space<semaphore_mem>>) src(%dma_wait3A_270 : memref<1000000x32xbf16, #tpu.memory_space<hbm>>) dst(%dma_wait3A_264 : memref<128x32xbf16, #tpu.memory_space<vmem>>)
    %dma_wait3A_271 = arith.constant 10 : i32
    %dma_wait3A_272 = arith.constant 1280 : i32
    %dma_wait3A_273 = arith.constant 0 : i32
    %dma_wait3A_274 = tpu.memref_slice %arg8[%dma_wait3A_272, %dma_wait3A_273] : memref<2048x32xbf16, #tpu.memory_space<vmem>> -> memref<128x32xbf16, #tpu.memory_space<vmem>>
    %dma_wait3A_275 = arith.constant 0 : i32
    %dma_wait3A_276 = tpu.memref_slice %arg7[%dma_wait3A_271, %dma_wait3A_275] : memref<16x128xi32, #tpu.memory_space<vmem>> -> memref<1x128xi32, #tpu.memory_space<vmem>>
    %dma_wait3A_277 = tpu.memref_squeeze %dma_wait3A_276 : memref<1x128xi32, #tpu.memory_space<vmem>> -> memref<128xi32, #tpu.memory_space<vmem>>
    %dma_wait3A_278 = arith.constant 0 : i32
    %dma_wait3A_279 = arith.constant 0 : i32
    %dma_wait3A_280 = tpu.memref_slice %arg3[%dma_wait3A_278, %dma_wait3A_279] : memref<1000000x32xbf16, #tpu.memory_space<hbm>> -> memref<1000000x32xbf16, #tpu.memory_space<hbm>>
    tpu.wait_indirect_dma semaphore(%arg12 : memref<!tpu.dma_semaphore, #tpu.memory_space<semaphore_mem>>) src(%dma_wait3A_280 : memref<1000000x32xbf16, #tpu.memory_space<hbm>>) dst(%dma_wait3A_274 : memref<128x32xbf16, #tpu.memory_space<vmem>>)
    %dma_wait3A_281 = arith.constant 11 : i32
    %dma_wait3A_282 = arith.constant 1408 : i32
    %dma_wait3A_283 = arith.constant 0 : i32
    %dma_wait3A_284 = tpu.memref_slice %arg8[%dma_wait3A_282, %dma_wait3A_283] : memref<2048x32xbf16, #tpu.memory_space<vmem>> -> memref<128x32xbf16, #tpu.memory_space<vmem>>
    %dma_wait3A_285 = arith.constant 0 : i32
    %dma_wait3A_286 = tpu.memref_slice %arg7[%dma_wait3A_281, %dma_wait3A_285] : memref<16x128xi32, #tpu.memory_space<vmem>> -> memref<1x128xi32, #tpu.memory_space<vmem>>
    %dma_wait3A_287 = tpu.memref_squeeze %dma_wait3A_286 : memref<1x128xi32, #tpu.memory_space<vmem>> -> memref<128xi32, #tpu.memory_space<vmem>>
    %dma_wait3A_288 = arith.constant 0 : i32
    %dma_wait3A_289 = arith.constant 0 : i32
    %dma_wait3A_290 = tpu.memref_slice %arg3[%dma_wait3A_288, %dma_wait3A_289] : memref<1000000x32xbf16, #tpu.memory_space<hbm>> -> memref<1000000x32xbf16, #tpu.memory_space<hbm>>
    tpu.wait_indirect_dma semaphore(%arg12 : memref<!tpu.dma_semaphore, #tpu.memory_space<semaphore_mem>>) src(%dma_wait3A_290 : memref<1000000x32xbf16, #tpu.memory_space<hbm>>) dst(%dma_wait3A_284 : memref<128x32xbf16, #tpu.memory_space<vmem>>)
    %scan3A_291 = arith.constant 0 : i32
    %scan3A_292 = arith.constant 0 : i32
    %scan3A_293 = arith.constant 512 : i32
    %scan3A_294 = arith.addi %scan3A_292, %scan3A_293 : i32
    %scan3A_295 = arith.constant 4 : i32
    scf.for %scan3A_343 = %scan3A_292 to %scan3A_294 step %scan3A_295  : i32 {
      %add3A_344 = arith.constant 1024 : i32
      %add3A_345 = arith.addi %add3A_344, %scan3A_343 : i32
      %get3A = arith.index_cast %add3A_345 : i32 to index
      %get3A_346 = arith.constant 0 : index
      %get3A_347 = tpu.vector_load %arg8[%get3A, %get3A_346] {strides = array<i32>} : memref<2048x32xbf16, #tpu.memory_space<vmem>>, vector<32xbf16>,
      %bitcast3A = vector.bitcast %get3A_347 : vector<32xbf16> to vector<16xi32>
      %shift_left3A = arith.constant 16 : i32
      %shift_left3A_348 = vector.broadcast %shift_left3A : i32 to vector<16xi32>
      %shift_left3A_349 = arith.shli %bitcast3A, %shift_left3A_348 : vector<16xi32>
      %bitcast3A_350 = vector.bitcast %shift_left3A_349 : vector<16xi32> to vector<16xf32>
      %and3A = arith.andi %bitcast3A, %broadcast_in_dim3A_160 : vector<16xi32>
      %bitcast3A_351 = vector.bitcast %and3A : vector<16xi32> to vector<16xf32>
      %get3A_352 = arith.index_cast %scan3A_343 : i32 to index
      %get3A_353 = arith.constant 0 : index
      %get3A_354 = tpu.vector_load %arg10[%get3A_352, %get3A_353] {strides = array<i32>} : memref<512x16xf32, #tpu.memory_space<vmem>>, vector<16xf32>,
      %add3A_355 = arith.addf %bitcast3A_350, %get3A_354 : vector<16xf32>
      %swap3A = arith.constant 0 : i32
      %swap3A_356 = arith.index_cast %add3A_345 : i32 to index
      %swap3A_357 = arith.index_cast %swap3A : i32 to index
      %swap3A_358 = arith.constant 0 : index
      %swap3A_359 = tpu.vector_load %arg9[%swap3A_356, %swap3A_357, %swap3A_358] {strides = array<i32>} : memref<2048x2x16xf32, #tpu.memory_space<vmem>>, vector<16xf32>,
      tpu.vector_store %arg9[%swap3A_356, %swap3A_357, %swap3A_358], %add3A_355 {strides = array<i32>} : memref<2048x2x16xf32, #tpu.memory_space<vmem>>, vector<16xf32>,
      %get3A_360 = arith.index_cast %scan3A_343 : i32 to index
      %get3A_361 = arith.constant 0 : index
      %get3A_362 = tpu.vector_load %arg11[%get3A_360, %get3A_361] {strides = array<i32>} : memref<512x16xf32, #tpu.memory_space<vmem>>, vector<16xf32>,
      %add3A_363 = arith.addf %bitcast3A_351, %get3A_362 : vector<16xf32>
      %swap3A_364 = arith.constant 1 : i32
      %swap3A_365 = arith.index_cast %add3A_345 : i32 to index
      %swap3A_366 = arith.index_cast %swap3A_364 : i32 to index
      %swap3A_367 = arith.constant 0 : index
      %swap3A_368 = tpu.vector_load %arg9[%swap3A_365, %swap3A_366, %swap3A_367] {strides = array<i32>} : memref<2048x2x16xf32, #tpu.memory_space<vmem>>, vector<16xf32>,
      tpu.vector_store %arg9[%swap3A_365, %swap3A_366, %swap3A_367], %add3A_363 {strides = array<i32>} : memref<2048x2x16xf32, #tpu.memory_space<vmem>>, vector<16xf32>,
      %scan3A_369 = arith.constant 1 : i32
      %scan3A_370 = arith.addi %scan3A_343, %scan3A_369 : i32
      %add3A_371 = arith.constant 1024 : i32
      %add3A_372 = arith.addi %add3A_371, %scan3A_370 : i32
      %get3A_373 = arith.index_cast %add3A_372 : i32 to index
      %get3A_374 = arith.constant 0 : index
      %get3A_375 = tpu.vector_load %arg8[%get3A_373, %get3A_374] {strides = array<i32>} : memref<2048x32xbf16, #tpu.memory_space<vmem>>, vector<32xbf16>,
      %bitcast3A_376 = vector.bitcast %get3A_375 : vector<32xbf16> to vector<16xi32>
      %shift_left3A_377 = arith.constant 16 : i32
      %shift_left3A_378 = vector.broadcast %shift_left3A_377 : i32 to vector<16xi32>
      %shift_left3A_379 = arith.shli %bitcast3A_376, %shift_left3A_378 : vector<16xi32>
      %bitcast3A_380 = vector.bitcast %shift_left3A_379 : vector<16xi32> to vector<16xf32>
      %and3A_381 = arith.andi %bitcast3A_376, %broadcast_in_dim3A_160 : vector<16xi32>
      %bitcast3A_382 = vector.bitcast %and3A_381 : vector<16xi32> to vector<16xf32>
      %get3A_383 = arith.index_cast %scan3A_370 : i32 to index
      %get3A_384 = arith.constant 0 : index
      %get3A_385 = tpu.vector_load %arg10[%get3A_383, %get3A_384] {strides = array<i32>} : memref<512x16xf32, #tpu.memory_space<vmem>>, vector<16xf32>,
      %add3A_386 = arith.addf %bitcast3A_380, %get3A_385 : vector<16xf32>
      %swap3A_387 = arith.constant 0 : i32
      %swap3A_388 = arith.index_cast %add3A_372 : i32 to index
      %swap3A_389 = arith.index_cast %swap3A_387 : i32 to index
      %swap3A_390 = arith.constant 0 : index
      %swap3A_391 = tpu.vector_load %arg9[%swap3A_388, %swap3A_389, %swap3A_390] {strides = array<i32>} : memref<2048x2x16xf32, #tpu.memory_space<vmem>>, vector<16xf32>,
      tpu.vector_store %arg9[%swap3A_388, %swap3A_389, %swap3A_390], %add3A_386 {strides = array<i32>} : memref<2048x2x16xf32, #tpu.memory_space<vmem>>, vector<16xf32>,
      %get3A_392 = arith.index_cast %scan3A_370 : i32 to index
      %get3A_393 = arith.constant 0 : index
      %get3A_394 = tpu.vector_load %arg11[%get3A_392, %get3A_393] {strides = array<i32>} : memref<512x16xf32, #tpu.memory_space<vmem>>, vector<16xf32>,
      %add3A_395 = arith.addf %bitcast3A_382, %get3A_394 : vector<16xf32>
      %swap3A_396 = arith.constant 1 : i32
      %swap3A_397 = arith.index_cast %add3A_372 : i32 to index
      %swap3A_398 = arith.index_cast %swap3A_396 : i32 to index
      %swap3A_399 = arith.constant 0 : index
      %swap3A_400 = tpu.vector_load %arg9[%swap3A_397, %swap3A_398, %swap3A_399] {strides = array<i32>} : memref<2048x2x16xf32, #tpu.memory_space<vmem>>, vector<16xf32>,
      tpu.vector_store %arg9[%swap3A_397, %swap3A_398, %swap3A_399], %add3A_395 {strides = array<i32>} : memref<2048x2x16xf32, #tpu.memory_space<vmem>>, vector<16xf32>,
      %scan3A_401 = arith.constant 2 : i32
      %scan3A_402 = arith.addi %scan3A_343, %scan3A_401 : i32
      %add3A_403 = arith.constant 1024 : i32
      %add3A_404 = arith.addi %add3A_403, %scan3A_402 : i32
      %get3A_405 = arith.index_cast %add3A_404 : i32 to index
      %get3A_406 = arith.constant 0 : index
      %get3A_407 = tpu.vector_load %arg8[%get3A_405, %get3A_406] {strides = array<i32>} : memref<2048x32xbf16, #tpu.memory_space<vmem>>, vector<32xbf16>,
      %bitcast3A_408 = vector.bitcast %get3A_407 : vector<32xbf16> to vector<16xi32>
      %shift_left3A_409 = arith.constant 16 : i32
      %shift_left3A_410 = vector.broadcast %shift_left3A_409 : i32 to vector<16xi32>
      %shift_left3A_411 = arith.shli %bitcast3A_408, %shift_left3A_410 : vector<16xi32>
      %bitcast3A_412 = vector.bitcast %shift_left3A_411 : vector<16xi32> to vector<16xf32>
      %and3A_413 = arith.andi %bitcast3A_408, %broadcast_in_dim3A_160 : vector<16xi32>
      %bitcast3A_414 = vector.bitcast %and3A_413 : vector<16xi32> to vector<16xf32>
      %get3A_415 = arith.index_cast %scan3A_402 : i32 to index
      %get3A_416 = arith.constant 0 : index
      %get3A_417 = tpu.vector_load %arg10[%get3A_415, %get3A_416] {strides = array<i32>} : memref<512x16xf32, #tpu.memory_space<vmem>>, vector<16xf32>,
      %add3A_418 = arith.addf %bitcast3A_412, %get3A_417 : vector<16xf32>
      %swap3A_419 = arith.constant 0 : i32
      %swap3A_420 = arith.index_cast %add3A_404 : i32 to index
      %swap3A_421 = arith.index_cast %swap3A_419 : i32 to index
      %swap3A_422 = arith.constant 0 : index
      %swap3A_423 = tpu.vector_load %arg9[%swap3A_420, %swap3A_421, %swap3A_422] {strides = array<i32>} : memref<2048x2x16xf32, #tpu.memory_space<vmem>>, vector<16xf32>,
      tpu.vector_store %arg9[%swap3A_420, %swap3A_421, %swap3A_422], %add3A_418 {strides = array<i32>} : memref<2048x2x16xf32, #tpu.memory_space<vmem>>, vector<16xf32>,
      %get3A_424 = arith.index_cast %scan3A_402 : i32 to index
      %get3A_425 = arith.constant 0 : index
      %get3A_426 = tpu.vector_load %arg11[%get3A_424, %get3A_425] {strides = array<i32>} : memref<512x16xf32, #tpu.memory_space<vmem>>, vector<16xf32>,
      %add3A_427 = arith.addf %bitcast3A_414, %get3A_426 : vector<16xf32>
      %swap3A_428 = arith.constant 1 : i32
      %swap3A_429 = arith.index_cast %add3A_404 : i32 to index
      %swap3A_430 = arith.index_cast %swap3A_428 : i32 to index
      %swap3A_431 = arith.constant 0 : index
      %swap3A_432 = tpu.vector_load %arg9[%swap3A_429, %swap3A_430, %swap3A_431] {strides = array<i32>} : memref<2048x2x16xf32, #tpu.memory_space<vmem>>, vector<16xf32>,
      tpu.vector_store %arg9[%swap3A_429, %swap3A_430, %swap3A_431], %add3A_427 {strides = array<i32>} : memref<2048x2x16xf32, #tpu.memory_space<vmem>>, vector<16xf32>,
      %scan3A_433 = arith.constant 3 : i32
      %scan3A_434 = arith.addi %scan3A_343, %scan3A_433 : i32
      %add3A_435 = arith.constant 1024 : i32
      %add3A_436 = arith.addi %add3A_435, %scan3A_434 : i32
      %get3A_437 = arith.index_cast %add3A_436 : i32 to index
      %get3A_438 = arith.constant 0 : index
      %get3A_439 = tpu.vector_load %arg8[%get3A_437, %get3A_438] {strides = array<i32>} : memref<2048x32xbf16, #tpu.memory_space<vmem>>, vector<32xbf16>,
      %bitcast3A_440 = vector.bitcast %get3A_439 : vector<32xbf16> to vector<16xi32>
      %shift_left3A_441 = arith.constant 16 : i32
      %shift_left3A_442 = vector.broadcast %shift_left3A_441 : i32 to vector<16xi32>
      %shift_left3A_443 = arith.shli %bitcast3A_440, %shift_left3A_442 : vector<16xi32>
      %bitcast3A_444 = vector.bitcast %shift_left3A_443 : vector<16xi32> to vector<16xf32>
      %and3A_445 = arith.andi %bitcast3A_440, %broadcast_in_dim3A_160 : vector<16xi32>
      %bitcast3A_446 = vector.bitcast %and3A_445 : vector<16xi32> to vector<16xf32>
      %get3A_447 = arith.index_cast %scan3A_434 : i32 to index
      %get3A_448 = arith.constant 0 : index
      %get3A_449 = tpu.vector_load %arg10[%get3A_447, %get3A_448] {strides = array<i32>} : memref<512x16xf32, #tpu.memory_space<vmem>>, vector<16xf32>,
      %add3A_450 = arith.addf %bitcast3A_444, %get3A_449 : vector<16xf32>
      %swap3A_451 = arith.constant 0 : i32
      %swap3A_452 = arith.index_cast %add3A_436 : i32 to index
      %swap3A_453 = arith.index_cast %swap3A_451 : i32 to index
      %swap3A_454 = arith.constant 0 : index
      %swap3A_455 = tpu.vector_load %arg9[%swap3A_452, %swap3A_453, %swap3A_454] {strides = array<i32>} : memref<2048x2x16xf32, #tpu.memory_space<vmem>>, vector<16xf32>,
      tpu.vector_store %arg9[%swap3A_452, %swap3A_453, %swap3A_454], %add3A_450 {strides = array<i32>} : memref<2048x2x16xf32, #tpu.memory_space<vmem>>, vector<16xf32>,
      %get3A_456 = arith.index_cast %scan3A_434 : i32 to index
      %get3A_457 = arith.constant 0 : index
      %get3A_458 = tpu.vector_load %arg11[%get3A_456, %get3A_457] {strides = array<i32>} : memref<512x16xf32, #tpu.memory_space<vmem>>, vector<16xf32>,
      %add3A_459 = arith.addf %bitcast3A_446, %get3A_458 : vector<16xf32>
      %swap3A_460 = arith.constant 1 : i32
      %swap3A_461 = arith.index_cast %add3A_436 : i32 to index
      %swap3A_462 = arith.index_cast %swap3A_460 : i32 to index
      %swap3A_463 = arith.constant 0 : index
      %swap3A_464 = tpu.vector_load %arg9[%swap3A_461, %swap3A_462, %swap3A_463] {strides = array<i32>} : memref<2048x2x16xf32, #tpu.memory_space<vmem>>, vector<16xf32>,
      tpu.vector_store %arg9[%swap3A_461, %swap3A_462, %swap3A_463], %add3A_459 {strides = array<i32>} : memref<2048x2x16xf32, #tpu.memory_space<vmem>>, vector<16xf32>,
    }
    %scan3A_296 = arith.constant 512 : i32
    "tpu.region"() ({
      %run_scoped3A = tpu.sem_alloc : memref<!tpu.dma_semaphore, #tpu.memory_space<semaphore_mem>>
      %dma_start3A_343 = arith.constant 1536 : i32
      %dma_start3A_344 = arith.constant 0 : i32
      %dma_start3A_345 = tpu.memref_slice %arg4[%dma_start3A_343, %dma_start3A_344] : memref<2048x16xf32, #tpu.memory_space<hbm>> -> memref<512x16xf32, #tpu.memory_space<hbm>>
      %dma_start3A_346 = arith.constant 1536 : i32
      %dma_start3A_347 = arith.constant 0 : i32
      %dma_start3A_348 = tpu.memref_slice %arg4[%dma_start3A_346, %dma_start3A_347] : memref<2048x16xf32, #tpu.memory_space<hbm>> -> memref<512x16xf32, #tpu.memory_space<hbm>>
      tpu.enqueue_dma source(%dma_start3A_348 : memref<512x16xf32, #tpu.memory_space<hbm>>) target(%arg10 : memref<512x16xf32, #tpu.memory_space<vmem>>) target_semaphore(%run_scoped3A : memref<!tpu.dma_semaphore, #tpu.memory_space<semaphore_mem>>)
      %dma_wait3A_349 = arith.constant 1536 : i32
      %dma_wait3A_350 = arith.constant 0 : i32
      %dma_wait3A_351 = tpu.memref_slice %arg4[%dma_wait3A_349, %dma_wait3A_350] : memref<2048x16xf32, #tpu.memory_space<hbm>> -> memref<512x16xf32, #tpu.memory_space<hbm>>
      %dma_wait3A_352 = arith.constant 1536 : i32
      %dma_wait3A_353 = arith.constant 0 : i32
      %dma_wait3A_354 = tpu.memref_slice %arg4[%dma_wait3A_352, %dma_wait3A_353] : memref<2048x16xf32, #tpu.memory_space<hbm>> -> memref<512x16xf32, #tpu.memory_space<hbm>>
      tpu.wait_dma2 semaphore(%run_scoped3A : memref<!tpu.dma_semaphore, #tpu.memory_space<semaphore_mem>>) src(%dma_wait3A_354 : memref<512x16xf32, #tpu.memory_space<hbm>>) dst(%arg10 : memref<512x16xf32, #tpu.memory_space<vmem>>)
      tpu.yield
    }) : () -> ()
    "tpu.region"() ({
      %run_scoped3A = tpu.sem_alloc : memref<!tpu.dma_semaphore, #tpu.memory_space<semaphore_mem>>
      %dma_start3A_343 = arith.constant 1536 : i32
      %dma_start3A_344 = arith.constant 0 : i32
      %dma_start3A_345 = tpu.memref_slice %arg5[%dma_start3A_343, %dma_start3A_344] : memref<2048x16xf32, #tpu.memory_space<hbm>> -> memref<512x16xf32, #tpu.memory_space<hbm>>
      %dma_start3A_346 = arith.constant 1536 : i32
      %dma_start3A_347 = arith.constant 0 : i32
      %dma_start3A_348 = tpu.memref_slice %arg5[%dma_start3A_346, %dma_start3A_347] : memref<2048x16xf32, #tpu.memory_space<hbm>> -> memref<512x16xf32, #tpu.memory_space<hbm>>
      tpu.enqueue_dma source(%dma_start3A_348 : memref<512x16xf32, #tpu.memory_space<hbm>>) target(%arg11 : memref<512x16xf32, #tpu.memory_space<vmem>>) target_semaphore(%run_scoped3A : memref<!tpu.dma_semaphore, #tpu.memory_space<semaphore_mem>>)
      %dma_wait3A_349 = arith.constant 1536 : i32
      %dma_wait3A_350 = arith.constant 0 : i32
      %dma_wait3A_351 = tpu.memref_slice %arg5[%dma_wait3A_349, %dma_wait3A_350] : memref<2048x16xf32, #tpu.memory_space<hbm>> -> memref<512x16xf32, #tpu.memory_space<hbm>>
      %dma_wait3A_352 = arith.constant 1536 : i32
      %dma_wait3A_353 = arith.constant 0 : i32
      %dma_wait3A_354 = tpu.memref_slice %arg5[%dma_wait3A_352, %dma_wait3A_353] : memref<2048x16xf32, #tpu.memory_space<hbm>> -> memref<512x16xf32, #tpu.memory_space<hbm>>
      tpu.wait_dma2 semaphore(%run_scoped3A : memref<!tpu.dma_semaphore, #tpu.memory_space<semaphore_mem>>) src(%dma_wait3A_354 : memref<512x16xf32, #tpu.memory_space<hbm>>) dst(%arg11 : memref<512x16xf32, #tpu.memory_space<vmem>>)
      tpu.yield
    }) : () -> ()
    %dma_wait3A_297 = arith.constant 12 : i32
    %dma_wait3A_298 = arith.constant 1536 : i32
    %dma_wait3A_299 = arith.constant 0 : i32
    %dma_wait3A_300 = tpu.memref_slice %arg8[%dma_wait3A_298, %dma_wait3A_299] : memref<2048x32xbf16, #tpu.memory_space<vmem>> -> memref<128x32xbf16, #tpu.memory_space<vmem>>
    %dma_wait3A_301 = arith.constant 0 : i32
    %dma_wait3A_302 = tpu.memref_slice %arg7[%dma_wait3A_297, %dma_wait3A_301] : memref<16x128xi32, #tpu.memory_space<vmem>> -> memref<1x128xi32, #tpu.memory_space<vmem>>
    %dma_wait3A_303 = tpu.memref_squeeze %dma_wait3A_302 : memref<1x128xi32, #tpu.memory_space<vmem>> -> memref<128xi32, #tpu.memory_space<vmem>>
    %dma_wait3A_304 = arith.constant 0 : i32
    %dma_wait3A_305 = arith.constant 0 : i32
    %dma_wait3A_306 = tpu.memref_slice %arg3[%dma_wait3A_304, %dma_wait3A_305] : memref<1000000x32xbf16, #tpu.memory_space<hbm>> -> memref<1000000x32xbf16, #tpu.memory_space<hbm>>
    tpu.wait_indirect_dma semaphore(%arg12 : memref<!tpu.dma_semaphore, #tpu.memory_space<semaphore_mem>>) src(%dma_wait3A_306 : memref<1000000x32xbf16, #tpu.memory_space<hbm>>) dst(%dma_wait3A_300 : memref<128x32xbf16, #tpu.memory_space<vmem>>)
    %dma_wait3A_307 = arith.constant 13 : i32
    %dma_wait3A_308 = arith.constant 1664 : i32
    %dma_wait3A_309 = arith.constant 0 : i32
    %dma_wait3A_310 = tpu.memref_slice %arg8[%dma_wait3A_308, %dma_wait3A_309] : memref<2048x32xbf16, #tpu.memory_space<vmem>> -> memref<128x32xbf16, #tpu.memory_space<vmem>>
    %dma_wait3A_311 = arith.constant 0 : i32
    %dma_wait3A_312 = tpu.memref_slice %arg7[%dma_wait3A_307, %dma_wait3A_311] : memref<16x128xi32, #tpu.memory_space<vmem>> -> memref<1x128xi32, #tpu.memory_space<vmem>>
    %dma_wait3A_313 = tpu.memref_squeeze %dma_wait3A_312 : memref<1x128xi32, #tpu.memory_space<vmem>> -> memref<128xi32, #tpu.memory_space<vmem>>
    %dma_wait3A_314 = arith.constant 0 : i32
    %dma_wait3A_315 = arith.constant 0 : i32
    %dma_wait3A_316 = tpu.memref_slice %arg3[%dma_wait3A_314, %dma_wait3A_315] : memref<1000000x32xbf16, #tpu.memory_space<hbm>> -> memref<1000000x32xbf16, #tpu.memory_space<hbm>>
    tpu.wait_indirect_dma semaphore(%arg12 : memref<!tpu.dma_semaphore, #tpu.memory_space<semaphore_mem>>) src(%dma_wait3A_316 : memref<1000000x32xbf16, #tpu.memory_space<hbm>>) dst(%dma_wait3A_310 : memref<128x32xbf16, #tpu.memory_space<vmem>>)
    %dma_wait3A_317 = arith.constant 14 : i32
    %dma_wait3A_318 = arith.constant 1792 : i32
    %dma_wait3A_319 = arith.constant 0 : i32
    %dma_wait3A_320 = tpu.memref_slice %arg8[%dma_wait3A_318, %dma_wait3A_319] : memref<2048x32xbf16, #tpu.memory_space<vmem>> -> memref<128x32xbf16, #tpu.memory_space<vmem>>
    %dma_wait3A_321 = arith.constant 0 : i32
    %dma_wait3A_322 = tpu.memref_slice %arg7[%dma_wait3A_317, %dma_wait3A_321] : memref<16x128xi32, #tpu.memory_space<vmem>> -> memref<1x128xi32, #tpu.memory_space<vmem>>
    %dma_wait3A_323 = tpu.memref_squeeze %dma_wait3A_322 : memref<1x128xi32, #tpu.memory_space<vmem>> -> memref<128xi32, #tpu.memory_space<vmem>>
    %dma_wait3A_324 = arith.constant 0 : i32
    %dma_wait3A_325 = arith.constant 0 : i32
    %dma_wait3A_326 = tpu.memref_slice %arg3[%dma_wait3A_324, %dma_wait3A_325] : memref<1000000x32xbf16, #tpu.memory_space<hbm>> -> memref<1000000x32xbf16, #tpu.memory_space<hbm>>
    tpu.wait_indirect_dma semaphore(%arg12 : memref<!tpu.dma_semaphore, #tpu.memory_space<semaphore_mem>>) src(%dma_wait3A_326 : memref<1000000x32xbf16, #tpu.memory_space<hbm>>) dst(%dma_wait3A_320 : memref<128x32xbf16, #tpu.memory_space<vmem>>)
    %dma_wait3A_327 = arith.constant 15 : i32
    %dma_wait3A_328 = arith.constant 1920 : i32
    %dma_wait3A_329 = arith.constant 0 : i32
    %dma_wait3A_330 = tpu.memref_slice %arg8[%dma_wait3A_328, %dma_wait3A_329] : memref<2048x32xbf16, #tpu.memory_space<vmem>> -> memref<128x32xbf16, #tpu.memory_space<vmem>>
    %dma_wait3A_331 = arith.constant 0 : i32
    %dma_wait3A_332 = tpu.memref_slice %arg7[%dma_wait3A_327, %dma_wait3A_331] : memref<16x128xi32, #tpu.memory_space<vmem>> -> memref<1x128xi32, #tpu.memory_space<vmem>>
    %dma_wait3A_333 = tpu.memref_squeeze %dma_wait3A_332 : memref<1x128xi32, #tpu.memory_space<vmem>> -> memref<128xi32, #tpu.memory_space<vmem>>
    %dma_wait3A_334 = arith.constant 0 : i32
    %dma_wait3A_335 = arith.constant 0 : i32
    %dma_wait3A_336 = tpu.memref_slice %arg3[%dma_wait3A_334, %dma_wait3A_335] : memref<1000000x32xbf16, #tpu.memory_space<hbm>> -> memref<1000000x32xbf16, #tpu.memory_space<hbm>>
    tpu.wait_indirect_dma semaphore(%arg12 : memref<!tpu.dma_semaphore, #tpu.memory_space<semaphore_mem>>) src(%dma_wait3A_336 : memref<1000000x32xbf16, #tpu.memory_space<hbm>>) dst(%dma_wait3A_330 : memref<128x32xbf16, #tpu.memory_space<vmem>>)
    %scan3A_337 = arith.constant 0 : i32
    %scan3A_338 = arith.constant 0 : i32
    %scan3A_339 = arith.constant 512 : i32
    %scan3A_340 = arith.addi %scan3A_338, %scan3A_339 : i32
    %scan3A_341 = arith.constant 4 : i32
    scf.for %scan3A_343 = %scan3A_338 to %scan3A_340 step %scan3A_341  : i32 {
      %add3A_344 = arith.constant 1536 : i32
      %add3A_345 = arith.addi %add3A_344, %scan3A_343 : i32
      %get3A = arith.index_cast %add3A_345 : i32 to index
      %get3A_346 = arith.constant 0 : index
      %get3A_347 = tpu.vector_load %arg8[%get3A, %get3A_346] {strides = array<i32>} : memref<2048x32xbf16, #tpu.memory_space<vmem>>, vector<32xbf16>,
      %bitcast3A = vector.bitcast %get3A_347 : vector<32xbf16> to vector<16xi32>
      %shift_left3A = arith.constant 16 : i32
      %shift_left3A_348 = vector.broadcast %shift_left3A : i32 to vector<16xi32>
      %shift_left3A_349 = arith.shli %bitcast3A, %shift_left3A_348 : vector<16xi32>
      %bitcast3A_350 = vector.bitcast %shift_left3A_349 : vector<16xi32> to vector<16xf32>
      %and3A = arith.andi %bitcast3A, %broadcast_in_dim3A_160 : vector<16xi32>
      %bitcast3A_351 = vector.bitcast %and3A : vector<16xi32> to vector<16xf32>
      %get3A_352 = arith.index_cast %scan3A_343 : i32 to index
      %get3A_353 = arith.constant 0 : index
      %get3A_354 = tpu.vector_load %arg10[%get3A_352, %get3A_353] {strides = array<i32>} : memref<512x16xf32, #tpu.memory_space<vmem>>, vector<16xf32>,
      %add3A_355 = arith.addf %bitcast3A_350, %get3A_354 : vector<16xf32>
      %swap3A = arith.constant 0 : i32
      %swap3A_356 = arith.index_cast %add3A_345 : i32 to index
      %swap3A_357 = arith.index_cast %swap3A : i32 to index
      %swap3A_358 = arith.constant 0 : index
      %swap3A_359 = tpu.vector_load %arg9[%swap3A_356, %swap3A_357, %swap3A_358] {strides = array<i32>} : memref<2048x2x16xf32, #tpu.memory_space<vmem>>, vector<16xf32>,
      tpu.vector_store %arg9[%swap3A_356, %swap3A_357, %swap3A_358], %add3A_355 {strides = array<i32>} : memref<2048x2x16xf32, #tpu.memory_space<vmem>>, vector<16xf32>,
      %get3A_360 = arith.index_cast %scan3A_343 : i32 to index
      %get3A_361 = arith.constant 0 : index
      %get3A_362 = tpu.vector_load %arg11[%get3A_360, %get3A_361] {strides = array<i32>} : memref<512x16xf32, #tpu.memory_space<vmem>>, vector<16xf32>,
      %add3A_363 = arith.addf %bitcast3A_351, %get3A_362 : vector<16xf32>
      %swap3A_364 = arith.constant 1 : i32
      %swap3A_365 = arith.index_cast %add3A_345 : i32 to index
      %swap3A_366 = arith.index_cast %swap3A_364 : i32 to index
      %swap3A_367 = arith.constant 0 : index
      %swap3A_368 = tpu.vector_load %arg9[%swap3A_365, %swap3A_366, %swap3A_367] {strides = array<i32>} : memref<2048x2x16xf32, #tpu.memory_space<vmem>>, vector<16xf32>,
      tpu.vector_store %arg9[%swap3A_365, %swap3A_366, %swap3A_367], %add3A_363 {strides = array<i32>} : memref<2048x2x16xf32, #tpu.memory_space<vmem>>, vector<16xf32>,
      %scan3A_369 = arith.constant 1 : i32
      %scan3A_370 = arith.addi %scan3A_343, %scan3A_369 : i32
      %add3A_371 = arith.constant 1536 : i32
      %add3A_372 = arith.addi %add3A_371, %scan3A_370 : i32
      %get3A_373 = arith.index_cast %add3A_372 : i32 to index
      %get3A_374 = arith.constant 0 : index
      %get3A_375 = tpu.vector_load %arg8[%get3A_373, %get3A_374] {strides = array<i32>} : memref<2048x32xbf16, #tpu.memory_space<vmem>>, vector<32xbf16>,
      %bitcast3A_376 = vector.bitcast %get3A_375 : vector<32xbf16> to vector<16xi32>
      %shift_left3A_377 = arith.constant 16 : i32
      %shift_left3A_378 = vector.broadcast %shift_left3A_377 : i32 to vector<16xi32>
      %shift_left3A_379 = arith.shli %bitcast3A_376, %shift_left3A_378 : vector<16xi32>
      %bitcast3A_380 = vector.bitcast %shift_left3A_379 : vector<16xi32> to vector<16xf32>
      %and3A_381 = arith.andi %bitcast3A_376, %broadcast_in_dim3A_160 : vector<16xi32>
      %bitcast3A_382 = vector.bitcast %and3A_381 : vector<16xi32> to vector<16xf32>
      %get3A_383 = arith.index_cast %scan3A_370 : i32 to index
      %get3A_384 = arith.constant 0 : index
      %get3A_385 = tpu.vector_load %arg10[%get3A_383, %get3A_384] {strides = array<i32>} : memref<512x16xf32, #tpu.memory_space<vmem>>, vector<16xf32>,
      %add3A_386 = arith.addf %bitcast3A_380, %get3A_385 : vector<16xf32>
      %swap3A_387 = arith.constant 0 : i32
      %swap3A_388 = arith.index_cast %add3A_372 : i32 to index
      %swap3A_389 = arith.index_cast %swap3A_387 : i32 to index
      %swap3A_390 = arith.constant 0 : index
      %swap3A_391 = tpu.vector_load %arg9[%swap3A_388, %swap3A_389, %swap3A_390] {strides = array<i32>} : memref<2048x2x16xf32, #tpu.memory_space<vmem>>, vector<16xf32>,
      tpu.vector_store %arg9[%swap3A_388, %swap3A_389, %swap3A_390], %add3A_386 {strides = array<i32>} : memref<2048x2x16xf32, #tpu.memory_space<vmem>>, vector<16xf32>,
      %get3A_392 = arith.index_cast %scan3A_370 : i32 to index
      %get3A_393 = arith.constant 0 : index
      %get3A_394 = tpu.vector_load %arg11[%get3A_392, %get3A_393] {strides = array<i32>} : memref<512x16xf32, #tpu.memory_space<vmem>>, vector<16xf32>,
      %add3A_395 = arith.addf %bitcast3A_382, %get3A_394 : vector<16xf32>
      %swap3A_396 = arith.constant 1 : i32
      %swap3A_397 = arith.index_cast %add3A_372 : i32 to index
      %swap3A_398 = arith.index_cast %swap3A_396 : i32 to index
      %swap3A_399 = arith.constant 0 : index
      %swap3A_400 = tpu.vector_load %arg9[%swap3A_397, %swap3A_398, %swap3A_399] {strides = array<i32>} : memref<2048x2x16xf32, #tpu.memory_space<vmem>>, vector<16xf32>,
      tpu.vector_store %arg9[%swap3A_397, %swap3A_398, %swap3A_399], %add3A_395 {strides = array<i32>} : memref<2048x2x16xf32, #tpu.memory_space<vmem>>, vector<16xf32>,
      %scan3A_401 = arith.constant 2 : i32
      %scan3A_402 = arith.addi %scan3A_343, %scan3A_401 : i32
      %add3A_403 = arith.constant 1536 : i32
      %add3A_404 = arith.addi %add3A_403, %scan3A_402 : i32
      %get3A_405 = arith.index_cast %add3A_404 : i32 to index
      %get3A_406 = arith.constant 0 : index
      %get3A_407 = tpu.vector_load %arg8[%get3A_405, %get3A_406] {strides = array<i32>} : memref<2048x32xbf16, #tpu.memory_space<vmem>>, vector<32xbf16>,
      %bitcast3A_408 = vector.bitcast %get3A_407 : vector<32xbf16> to vector<16xi32>
      %shift_left3A_409 = arith.constant 16 : i32
      %shift_left3A_410 = vector.broadcast %shift_left3A_409 : i32 to vector<16xi32>
      %shift_left3A_411 = arith.shli %bitcast3A_408, %shift_left3A_410 : vector<16xi32>
      %bitcast3A_412 = vector.bitcast %shift_left3A_411 : vector<16xi32> to vector<16xf32>
      %and3A_413 = arith.andi %bitcast3A_408, %broadcast_in_dim3A_160 : vector<16xi32>
      %bitcast3A_414 = vector.bitcast %and3A_413 : vector<16xi32> to vector<16xf32>
      %get3A_415 = arith.index_cast %scan3A_402 : i32 to index
      %get3A_416 = arith.constant 0 : index
      %get3A_417 = tpu.vector_load %arg10[%get3A_415, %get3A_416] {strides = array<i32>} : memref<512x16xf32, #tpu.memory_space<vmem>>, vector<16xf32>,
      %add3A_418 = arith.addf %bitcast3A_412, %get3A_417 : vector<16xf32>
      %swap3A_419 = arith.constant 0 : i32
      %swap3A_420 = arith.index_cast %add3A_404 : i32 to index
      %swap3A_421 = arith.index_cast %swap3A_419 : i32 to index
      %swap3A_422 = arith.constant 0 : index
      %swap3A_423 = tpu.vector_load %arg9[%swap3A_420, %swap3A_421, %swap3A_422] {strides = array<i32>} : memref<2048x2x16xf32, #tpu.memory_space<vmem>>, vector<16xf32>,
      tpu.vector_store %arg9[%swap3A_420, %swap3A_421, %swap3A_422], %add3A_418 {strides = array<i32>} : memref<2048x2x16xf32, #tpu.memory_space<vmem>>, vector<16xf32>,
      %get3A_424 = arith.index_cast %scan3A_402 : i32 to index
      %get3A_425 = arith.constant 0 : index
      %get3A_426 = tpu.vector_load %arg11[%get3A_424, %get3A_425] {strides = array<i32>} : memref<512x16xf32, #tpu.memory_space<vmem>>, vector<16xf32>,
      %add3A_427 = arith.addf %bitcast3A_414, %get3A_426 : vector<16xf32>
      %swap3A_428 = arith.constant 1 : i32
      %swap3A_429 = arith.index_cast %add3A_404 : i32 to index
      %swap3A_430 = arith.index_cast %swap3A_428 : i32 to index
      %swap3A_431 = arith.constant 0 : index
      %swap3A_432 = tpu.vector_load %arg9[%swap3A_429, %swap3A_430, %swap3A_431] {strides = array<i32>} : memref<2048x2x16xf32, #tpu.memory_space<vmem>>, vector<16xf32>,
      tpu.vector_store %arg9[%swap3A_429, %swap3A_430, %swap3A_431], %add3A_427 {strides = array<i32>} : memref<2048x2x16xf32, #tpu.memory_space<vmem>>, vector<16xf32>,
      %scan3A_433 = arith.constant 3 : i32
      %scan3A_434 = arith.addi %scan3A_343, %scan3A_433 : i32
      %add3A_435 = arith.constant 1536 : i32
      %add3A_436 = arith.addi %add3A_435, %scan3A_434 : i32
      %get3A_437 = arith.index_cast %add3A_436 : i32 to index
      %get3A_438 = arith.constant 0 : index
      %get3A_439 = tpu.vector_load %arg8[%get3A_437, %get3A_438] {strides = array<i32>} : memref<2048x32xbf16, #tpu.memory_space<vmem>>, vector<32xbf16>,
      %bitcast3A_440 = vector.bitcast %get3A_439 : vector<32xbf16> to vector<16xi32>
      %shift_left3A_441 = arith.constant 16 : i32
      %shift_left3A_442 = vector.broadcast %shift_left3A_441 : i32 to vector<16xi32>
      %shift_left3A_443 = arith.shli %bitcast3A_440, %shift_left3A_442 : vector<16xi32>
      %bitcast3A_444 = vector.bitcast %shift_left3A_443 : vector<16xi32> to vector<16xf32>
      %and3A_445 = arith.andi %bitcast3A_440, %broadcast_in_dim3A_160 : vector<16xi32>
      %bitcast3A_446 = vector.bitcast %and3A_445 : vector<16xi32> to vector<16xf32>
      %get3A_447 = arith.index_cast %scan3A_434 : i32 to index
      %get3A_448 = arith.constant 0 : index
      %get3A_449 = tpu.vector_load %arg10[%get3A_447, %get3A_448] {strides = array<i32>} : memref<512x16xf32, #tpu.memory_space<vmem>>, vector<16xf32>,
      %add3A_450 = arith.addf %bitcast3A_444, %get3A_449 : vector<16xf32>
      %swap3A_451 = arith.constant 0 : i32
      %swap3A_452 = arith.index_cast %add3A_436 : i32 to index
      %swap3A_453 = arith.index_cast %swap3A_451 : i32 to index
      %swap3A_454 = arith.constant 0 : index
      %swap3A_455 = tpu.vector_load %arg9[%swap3A_452, %swap3A_453, %swap3A_454] {strides = array<i32>} : memref<2048x2x16xf32, #tpu.memory_space<vmem>>, vector<16xf32>,
      tpu.vector_store %arg9[%swap3A_452, %swap3A_453, %swap3A_454], %add3A_450 {strides = array<i32>} : memref<2048x2x16xf32, #tpu.memory_space<vmem>>, vector<16xf32>,
      %get3A_456 = arith.index_cast %scan3A_434 : i32 to index
      %get3A_457 = arith.constant 0 : index
      %get3A_458 = tpu.vector_load %arg11[%get3A_456, %get3A_457] {strides = array<i32>} : memref<512x16xf32, #tpu.memory_space<vmem>>, vector<16xf32>,
      %add3A_459 = arith.addf %bitcast3A_446, %get3A_458 : vector<16xf32>
      %swap3A_460 = arith.constant 1 : i32
      %swap3A_461 = arith.index_cast %add3A_436 : i32 to index
      %swap3A_462 = arith.index_cast %swap3A_460 : i32 to index
      %swap3A_463 = arith.constant 0 : index
      %swap3A_464 = tpu.vector_load %arg9[%swap3A_461, %swap3A_462, %swap3A_463] {strides = array<i32>} : memref<2048x2x16xf32, #tpu.memory_space<vmem>>, vector<16xf32>,
      tpu.vector_store %arg9[%swap3A_461, %swap3A_462, %swap3A_463], %add3A_459 {strides = array<i32>} : memref<2048x2x16xf32, #tpu.memory_space<vmem>>, vector<16xf32>,
    }
    %scan3A_342 = arith.constant 512 : i32
    "tpu.region"() ({
      %run_scoped3A = tpu.sem_alloc : memref<!tpu.dma_semaphore, #tpu.memory_space<semaphore_mem>>
      %dma_start3A_343 = arith.constant 0 : i32
      %dma_start3A_344 = arith.constant 0 : i32
      %dma_start3A_345 = arith.constant 0 : i32
      %dma_start3A_346 = tpu.memref_slice %arg6[%add3A, %dma_start3A_343, %dma_start3A_344, %dma_start3A_345] : memref<32x2048x2x16xf32, #tpu.memory_space<hbm>> -> memref<1x2048x2x16xf32, #tpu.memory_space<hbm>>
      %dma_start3A_347 = tpu.memref_squeeze %dma_start3A_346 : memref<1x2048x2x16xf32, #tpu.memory_space<hbm>> -> memref<2048x2x16xf32, #tpu.memory_space<hbm>>
      %dma_start3A_348 = arith.constant 0 : i32
      %dma_start3A_349 = arith.constant 0 : i32
      %dma_start3A_350 = arith.constant 0 : i32
      %dma_start3A_351 = tpu.memref_slice %arg6[%add3A, %dma_start3A_348, %dma_start3A_349, %dma_start3A_350] : memref<32x2048x2x16xf32, #tpu.memory_space<hbm>> -> memref<1x2048x2x16xf32, #tpu.memory_space<hbm>>
      %dma_start3A_352 = tpu.memref_squeeze %dma_start3A_351 : memref<1x2048x2x16xf32, #tpu.memory_space<hbm>> -> memref<2048x2x16xf32, #tpu.memory_space<hbm>>
      tpu.enqueue_dma source(%arg9 : memref<2048x2x16xf32, #tpu.memory_space<vmem>>) target(%dma_start3A_352 : memref<2048x2x16xf32, #tpu.memory_space<hbm>>) target_semaphore(%run_scoped3A : memref<!tpu.dma_semaphore, #tpu.memory_space<semaphore_mem>>)
      %dma_wait3A_353 = arith.constant 0 : i32
      %dma_wait3A_354 = arith.constant 0 : i32
      %dma_wait3A_355 = arith.constant 0 : i32
      %dma_wait3A_356 = tpu.memref_slice %arg6[%add3A, %dma_wait3A_353, %dma_wait3A_354, %dma_wait3A_355] : memref<32x2048x2x16xf32, #tpu.memory_space<hbm>> -> memref<1x2048x2x16xf32, #tpu.memory_space<hbm>>
      %dma_wait3A_357 = tpu.memref_squeeze %dma_wait3A_356 : memref<1x2048x2x16xf32, #tpu.memory_space<hbm>> -> memref<2048x2x16xf32, #tpu.memory_space<hbm>>
      %dma_wait3A_358 = arith.constant 0 : i32
      %dma_wait3A_359 = arith.constant 0 : i32
      %dma_wait3A_360 = arith.constant 0 : i32
      %dma_wait3A_361 = tpu.memref_slice %arg6[%add3A, %dma_wait3A_358, %dma_wait3A_359, %dma_wait3A_360] : memref<32x2048x2x16xf32, #tpu.memory_space<hbm>> -> memref<1x2048x2x16xf32, #tpu.memory_space<hbm>>
      %dma_wait3A_362 = tpu.memref_squeeze %dma_wait3A_361 : memref<1x2048x2x16xf32, #tpu.memory_space<hbm>> -> memref<2048x2x16xf32, #tpu.memory_space<hbm>>
      tpu.wait_dma2 semaphore(%run_scoped3A : memref<!tpu.dma_semaphore, #tpu.memory_space<semaphore_mem>>) src(%arg9 : memref<2048x2x16xf32, #tpu.memory_space<vmem>>) dst(%dma_wait3A_362 : memref<2048x2x16xf32, #tpu.memory_space<hbm>>)
      tpu.yield
    }) : () -> ()
    return
  }
}

</mosaic_0001>

<sc_bundles>
// kernel: kernel.3.cloned.1.call-start
scs
__scs_entry_jumppad:
0x0: {  	(pc) =	sbr.rel $0x88, $3  }
0x1: {  	(tag) =	ssettag $0x0;
	lr =	simm.s32 $0x1  }
0x2: {  	[smem:$0x3F9E] =	sst lr;
	_ =	strace $0xD0000000  }
0x3: {  	_ = 	snop  }
0x4: {  	_ = 	snop  }
0x5: {  	_ = 	snop  }
0x6: {  	_ = 	snop  }
0x7: {  	_ = 	snop  }
__scs_overlays_trampoline_lowered:
0x8: {  	[smem:$0x3FAD] =	sst s0  }
0x9: {  	[smem:$0x3FAE] =	sst s1  }
0xa: {  	[smem:$0x3FAF] =	sst s2  }
0xb: {  	[smem:$0x3FB0] =	sst s3  }
0xc: {  	[smem:$0x3FB1] =	sst s4  }
0xd: {  	[smem:$0x3FB2] =	sst s5  }
0xe: {  	[smem:$0x3FB3] =	sst s6  }
0xf: {  	[smem:$0x3FB4] =	sst s7  }
0x10: {  	[smem:$0x3FB5] =	sst s8  }
0x11: {  	[smem:$0x3FB6] =	sst s9;
	s0 =	simm.s32 @!p0 $0x0  }
0x12: {  	s1 =	sld [smem:$0x3F9C];
	s0 =	simm.s32 @p0 $0x1  }
0x13: {  	[smem:$0x3FB7] =	sst s0;
	s0 =	simm.s32 @!p1 $0x0  }
0x14: {  	s2 =	sld [smem:$0x3F9B];
	s0 =	simm.s32 @p1 $0x1  }
0x15: {  	[smem:$0x3FB8] =	sst s0;
	s0 =	simm.s32 @!p2 $0x0  }
0x16: {  	s3 =	sld [smem:$0x3FDB];
	s0 =	simm.s32 @p2 $0x1  }
0x17: {  	s4 =	simm.s32 $0x1BF5;
	[smem:$0x3FBA] =	sst s0  }
0x18: {  	s0 =	sld [smem:$0x3F9D];
	_ =	swait.ge [sflag:s4], $0x0  }
0x19: {  	s7 =	sld [smem:$0x3F9E]  }
0x1a: {  	s8 =	sadd.s32 $0xFFFFE003, lr  }
0x1b: {  	s9 =	sadd.s32 $0xFFFFFEF7, lr;
	s5 =	simm.s32 $0xFFFFFFFF;
	p2 =	slt.u32 s8, $0xFFFFF086  }
0x1c: {  	p1 =	slt.u32 s9, $0xF7A;
	s5 =	simm.s32 @!p2 $0x0  }
0x1d: {  	s5 =	simm.s32 @p1 $0x1;
	p0 =	seq.s32 s7, s2  }
0x1e: {  	s7 =	smul.u32 @!p0 $0xF7A, s2;
	p2 =	seq.s32 @!p0 s5, $0x0  }
0x1f: {  	s9 =	smul.u32 $0xF7A, s1;
	s8 =	simm.s32 @!p0 $0x1BF5;
	p2 =	por !p2, p0  }
0x20: {  	[sflag:s8] =	ssyncset.s32 @!p0 $0xFFFFF086;
	s6 =	sadd.s32 @!p0 s3, s7;
	s7 =	simm.s32 @!p0 $0x108  }
0x21: {  	s3 =	sadd.s32 s3, s9;
	s6 =	sadd.s32 @!p0 $0x88, s6;
	s7 =	simm.s32 @p2 $0x1082  }
0x22: {  	[simem:s7], [sflag:s8] =	dma.local @!p0 [hbm:s6], $0xF7A  }
0x23: {  	s9 =	sor.u32 $0xD0000000, s2;
	s6 =	simm.s32 $0x108;
	_ =	swait.ge @!p0 [sflag:s8], $0x0  }
0x24: {  	s3 =	sadd.s32 $0x88, s3;
	s6 =	simm.s32 @!p1 $0x1082;
	[sflag:s4] =	ssyncset.s32 $0xFFFFF086  }
0x25: {  	[simem:s6], [sflag:s4] =	dma.local [hbm:s3], $0xF7A  }
0x26: {  	[smem:$0x3F9E] =	sst s1;
	(tag) =	ssettag s2;
	_ =	strace s9  }
0x27: {  	s1 =	sld [smem:$0x3FAE]  }
0x28: {  	s2 =	sld [smem:$0x3FAF]  }
0x29: {  	s4 =	sld [smem:$0x3FB1]  }
0x2a: {  	p0 =	seq.s32 s5, $0x0;
	s5 =	sld [smem:$0x3FB2]  }
0x2b: {  	s6 =	sld [smem:$0x3FB3]  }
0x2c: {  	s7 =	sld [smem:$0x3FB4]  }
0x2d: {  	s3 =	simm.s32 $0x108;
	s8 =	sld [smem:$0x3FB5]  }
0x2e: {  	s3 =	simm.s32 @!p0 $0x1082;
	s9 =	sld [smem:$0x3FB6]  }
0x2f: {  	lr =	sadd.s32 s0, s3;
	s0 =	sld [smem:$0x3FAD]  }
0x30: {  	s3 =	sld [smem:$0x3FB0]  }
0x31: {  	[smem:$0x3FB9] =	sst s10  }
0x32: {  	s10 =	sld [smem:$0x3FB7];
	_ =	sdelay $0x3  }
0x33: {  	p0 =	seq.s32 s10, $0x1;
	s10 =	sld [smem:$0x3FB9];
	_ =	sdelay $0x3  }
0x34: {  	[smem:$0x3FB9] =	sst s10  }
0x35: {  	s10 =	sld [smem:$0x3FB8];
	_ =	sdelay $0x3  }
0x36: {  	p1 =	seq.s32 s10, $0x1;
	s10 =	sld [smem:$0x3FB9];
	_ =	sdelay $0x3  }
0x37: {  	[smem:$0x3FB9] =	sst s10  }
0x38: {  	s10 =	sld [smem:$0x3FBA]  }
0x39: {  	_ = 	snop;
	(pc) =	sbr.ind lr, $3  }
0x3a: {  	_ = 	snop  }
0x3b: {  	_ = 	snop  }
0x3c: {  	p2 =	seq.s32 s10, $0x1;
	s10 =	sld [smem:$0x3FB9]  }
0x3d: {  	_ =	shalt  }
0x3e: {  	_ =	shalt  }
0x3f: {  	_ =	shalt  }
0x40: {  	_ =	shalt  }
0x41: {  	_ =	shalt  }
0x42: {  	_ =	shalt  }
0x43: {  	_ =	shalt  }
0x44: {  	_ =	shalt  }
0x45: {  	_ =	shalt  }
0x46: {  	_ =	shalt  }
0x47: {  	_ =	shalt  }
0x48: {  	_ =	shalt  }
0x49: {  	_ =	shalt  }
0x4a: {  	_ =	shalt  }
0x4b: {  	_ =	shalt  }
0x4c: {  	_ =	shalt  }
0x4d: {  	_ =	shalt  }
0x4e: {  	_ =	shalt  }
0x4f: {  	_ =	shalt  }
0x50: {  	_ =	shalt  }
0x51: {  	_ =	shalt  }
0x52: {  	_ =	shalt  }
0x53: {  	_ =	shalt  }
0x54: {  	_ =	shalt  }
0x55: {  	_ =	shalt  }
0x56: {  	_ =	shalt  }
0x57: {  	_ =	shalt  }
0x58: {  	_ =	shalt  }
0x59: {  	_ =	shalt  }
0x5a: {  	_ =	shalt  }
0x5b: {  	_ =	shalt  }
0x5c: {  	_ =	shalt  }
0x5d: {  	_ =	shalt  }
0x5e: {  	_ =	shalt  }
0x5f: {  	_ =	shalt  }
0x60: {  	_ =	shalt  }
0x61: {  	_ =	shalt  }
0x62: {  	_ =	shalt  }
0x63: {  	_ =	shalt  }
0x64: {  	_ =	shalt  }
0x65: {  	_ =	shalt  }
0x66: {  	_ =	shalt  }
0x67: {  	_ =	shalt  }
0x68: {  	_ =	shalt  }
0x69: {  	_ =	shalt  }
0x6a: {  	_ =	shalt  }
0x6b: {  	_ =	shalt  }
0x6c: {  	_ =	shalt  }
0x6d: {  	_ =	shalt  }
0x6e: {  	_ =	shalt  }
0x6f: {  	_ =	shalt  }
0x70: {  	_ =	shalt  }
0x71: {  	_ =	shalt  }
0x72: {  	_ =	shalt  }
0x73: {  	_ =	shalt  }
0x74: {  	_ =	shalt  }
0x75: {  	_ =	shalt  }
0x76: {  	_ =	shalt  }
0x77: {  	_ =	shalt  }
0x78: {  	_ =	shalt  }
0x79: {  	_ =	shalt  }
0x7a: {  	_ =	shalt  }
0x7b: {  	_ =	shalt  }
0x7c: {  	_ =	shalt  }
0x7d: {  	_ =	shalt  }
0x7e: {  	_ =	shalt  }
0x7f: {  	_ =	shalt  }
0x80: {  	_ =	shalt  }
0x81: {  	_ =	shalt  }
0x82: {  	_ =	shalt  }
0x83: {  	_ =	shalt  }
0x84: {  	_ =	shalt  }
0x85: {  	_ =	shalt  }
0x86: {  	_ =	shalt  }
0x87: {  	_ =	shalt  }
.Lfunc_end0:
.L_simem_size_0:
called_computation.2_lowered:
.L_overlay_start_0:
0x88: {  	s2 =	sld [smem:$0x3FD9]  }
0x89: {  	s3 =	sld [smem:$0x3FFE];
	_ =	sdelay $0x1  }
0x8a: {  	s1 =	srdreg.scid  }
0x8b: {  	s0 =	sand.u32 $0x1, s1  }
0x8c: {  	s17 =	sshll.u32 s0, $0xA;
	s2 =	sadd.s32 s3, s2  }
0x8d: {  	s2 =	sadd.s32 s2, s17  }
0x8e: {  	[smem:$0x3FC5] =	sst s2  }
0x8f: {  	_ = 	snop  }
0x90: {  	s2 =	sld [smem:$0x3FD0];
	(tm) =	ssettm $0x1  }
0x91: {  	s18 =	sld [smem:$0x3FFB];
	_ =	sdelay $0x3  }
0x92: {  	_ =	strace s18  }
0x93: {  	s3 =	sld [smem:$0x3FFC];
	_ =	sdelay $0x3  }
0x94: {  	_ =	strace s3  }
0x95: {  	s3 =	sld [smem:$0x3FFD];
	_ =	sdelay $0x3  }
0x96: {  	_ =	strace s3  }
0x97: {  	_ =	strace $0x8FFFFFFF  }
0x98: {  	s19 =	sld [smem:$0x3FDB];
	_ =	sdelay $0x1  }
0x99: {  	s4 =	simm.s32 $_scs_section_size  }
0x9a: {  	s5 =	simm.s32 $_size__tile_overlayer_lowered;
	s6 =	simm.s32 $_tile_overlayer_lowered  }
0x9b: {  	s22 =	simm.s32 $0x1BFF;
	s21 =	sshll.u32 s6, $0x1;
	s3 =	sadd.s32 s4, s19  }
0x9c: {  	s7 =	simm.s32 $0x0;
	s20 =	sshll.u32 s5, $0x1;
	s5 =	sadd.s32 s21, s3  }
0x9d: {  	[timem:s7], [sflag:s22] =	dma.local [hbm:s5], s20  }
0x9e: {  	_ =	swait.ge [sflag:s22], s20  }
0x9f: {  	s4 =	ssub.s32 $0x0, s20;
	[sflag:s22] =	ssyncset.done $0x0  }
0xa0: {  	[sflag:s22] =	ssyncadd.s32 s4;
	_ =	sdelay $0x1  }
0xa1: {  	s23 =	simm.s32 $0x1B8B  }
0xa2: {  	_ =	swait.ge [sflag:s23], $0x1  }
0xa3: {  	[sflag:s23] =	ssyncset.done $0x0  }
0xa4: {  	s25 =	simm.s32 $0x1B8E;
	s24 =	sld [smem:$0x3FFE];
	[sflag:s23] =	ssyncadd.s32 $0xFFFFFFFF  }
0xa5: {  	s26 =	simm.s32 $execute0_lowered;
	[smem:$0x3FD2] =	sst s25  }
0xa6: {  	s5 =	sshll.u32 s26, $0x1;
	_ =	strace $0x8000004C;
	[dreg:$0x1] =	wrdreg $0xFFFFFFFF  }
0xa7: {  	s28 =	simm.s32 $_size_execute0_lowered;
	s3 =	sadd.s32 s3, s5;
	[dreg:$0x0] =	wrdreg $0x0  }
0xa8: {  	s5 =	sshll.u32 s28, $0x1;
	[dreg:$0x2] =	wrdreg s3  }
0xa9: {  	[dreg:$0x3] =	wrdreg s5  }
0xaa: {  	[dreg:$0x4] =	wrdreg $0xC0  }
0xab: {  	_ =	task [dreg:s7], $0x5FFFF  }
0xac: {  	[dreg:$0x1] =	wrdreg $0xFFFFFFFF  }
0xad: {  	[dreg:$0x0] =	wrdreg $0x60  }
0xae: {  	[dreg:$0x2] =	wrdreg s24  }
0xaf: {  	[dreg:$0x3] =	wrdreg s2  }
0xb0: {  	[dreg:$0x4] =	wrdreg $0x9  }
0xb1: {  	_ =	task.clear_ibuf [dreg:s7], $0x5FFFF;
	_ =	strace $0x9000004C  }
0xb2: {  	s29 =	simm.s32 $0x9;
	_ =	strace $0x8000004E  }
0xb3: {  	_ =	swait.ge [sflag:s29], $0x1  }
0xb4: {  	[sflag:s29] =	ssyncadd.s32 $0xFFFFFFFF  }
0xb5: {  	_ =	strace $0x9000004E  }
0xb6: {  	_ =	sfence  }
0xb7: {  	s30 =	sld [smem:$0x0];
	_ =	sdelay $0x2  }
0xb8: {  	s31 =	sshll.u32 s1, $0xD;
	s1 =	sshrl.u32 s1, $0x2  }
0xb9: {  	s3 =	sand.u32 $0x4000, s31;
	s1 =	sadd.s32 s1, s30  }
0xba: {  	s0 =	sor.u32 s3, s0;
	s1 =	sshll.u32 s1, $0x11  }
0xbb: {  	s0 =	sor.u32 s1, s0  }
0xbc: {  	s0 =	sadd.s32 $0x8F2B, s0  }
0xbd: {  	[sflag:s0] =	ssyncadd.remote.s32 $0x1  }
0xbe: {  	_ =	sfence.sel $0xFFFF  }
0xbf: {  	[dreg:$0x0] =	wrdreg $0xFFFFFFFF;
	(pc) =	sbr.abs _section_cstart, $3  }
0xc0: {  	[dreg:$0x1] =	wrdreg $0xFFFFFFFF  }
0xc1: {  	_ =	task.clear_ibuf [dreg:s7], $0x2FFFF;
	_ =	strace $0x9FFFFFFF  }
0xc2: {  	(tm) =	ssettm $0x7FFFFFFF  }
0xc3: {  	_ =	shalt  }
tec
execute0_lowered:
.L_overlay_start_1:
0x0: {  	(tag) =	ssettag $0x1  }
0x1: {  	s0 =	rddreg [dreg:$0x0]  }
0x2: {  	s1 =	rddreg [dreg:$0x1]  }
0x3: {  	s3 =	srdreg.scid;
	s4 =	stileid.u32;
	s2 =	simm.s32 $0x0  }
0x4: {  	s15 =	simm.s32 $0x2;
	s16 =	simm.s32 $0x80;
	s28 =	simm.s32 $0x700  }
0x5: {  	s29 =	simm.s32 $0x7800;
	s30 =	simm.s32 $0x780;
	s31 =	simm.s32 $0x8000  }
0x6: {  	s17 =	simm.s32 $0x1;
	s18 =	simm.s32 $0x8800;
	s19 =	simm.s32 $0x0  }
0x7: {  	s25 =	sshll.u32 s4, $0x1;
	[smem:$0x7FF] =	sst s2;
	s4 =	sadd.s32 $0x3D2C00, s0  }
0x8: {  	s6 =	sand.u32 $0x1, s3;
	s5 =	sadd.s32 $0x3D1C00, s0;
	s8 =	sadd.s32 $0x3D3400, s0  }
0x9: {  	s11 =	sadd.s32 $0x3D2000, s0;
	s12 =	sadd.s32 $0x3D2800, s0;
	s13 =	sor.u32 s6, s25  }
0xa: {  	_ =	strace $0x8000004D;
	s9 =	ssub.s32 $0x2, s6;
	s25 =	simm.s32 $0x680  }
0xb: {  	s3 =	sshll.u32 s13, $0x8;
	s10 =	sshrl.u32 s9, $0x1;
	s26 =	sshll.u32 s13, $0xD  }
0xc: {  	s7 =	sadd.s32 s3, s0;
	s3 =	sadd.s32 $0x1000, s0;
	s14 =	ssub.s32 s9, s10  }
0xd: {  	s9 =	sadd.s32 $0x3D2400, s0;
	s10 =	sadd.s32 $0x3D3800, s0;
	s13 =	sadd.s32 s1, s26  }
0xe: {  	s26 =	simm.s32 $0x7000;
	s1 =	simm.s32 $0x1A800;
	s6 =	sadd.s32 $0x3D3C00, s7  }
0xf: {  	s7 =	sadd.s32 $0x3D3000, s0;
	s14 =	smax.u32 s14, $0x1;
	s0 =	simm.s32 $0x18800  }
.LBB2_1:
0x10: {  	[tilespmem:s2], [sflag:$0x2] =	stream.linear.gather [hbm4b:s6+s2], $0x800, $0x38;
	[tilespmem:$0x1C800] =	vst v63  }
0x11: {  	_ =	swait.ge [sflag:s15], $0x800  }
0x12: {  	[sflag:s15] =	ssyncset.done $0x0  }
0x13: {  	s20 =	simm.s32 $0x800;
	[sflag:s15] =	ssyncadd.s32 $0xFFFFF800  }
0x14: {  	[tilespmem:s20], [sflag:$0x1] =	stream.indirect.gather [hbm4b:s3+s16], $0x10, s2, s16, $0xb8;
	[tilespmem:$0x1C800] =	vst v63  }
0x15: {  	s23 =	simm.s32 $0x1000  }
0x16: {  	[tilespmem:s23], [sflag:$0x1] =	stream.indirect.gather [hbm4b:s3+s16], $0x10, s16, s16, $0xb8;
	[tilespmem:$0x1C800] =	vst v63  }
0x17: {  	s24 =	simm.s32 $0x100;
	s21 =	simm.s32 $0x1800  }
0x18: {  	[tilespmem:s21], [sflag:$0x1] =	stream.indirect.gather [hbm4b:s3+s16], $0x10, s24, s16, $0xb8;
	[tilespmem:$0x1C800] =	vst v63  }
0x19: {  	s22 =	simm.s32 $0x2000;
	s21 =	simm.s32 $0x180  }
0x1a: {  	[tilespmem:s22], [sflag:$0x1] =	stream.indirect.gather [hbm4b:s3+s16], $0x10, s21, s16, $0xb8;
	[tilespmem:$0x1C800] =	vst v63  }
0x1b: {  	s23 =	simm.s32 $0x200;
	s24 =	simm.s32 $0x2800  }
0x1c: {  	[tilespmem:s24], [sflag:$0x1] =	stream.indirect.gather [hbm4b:s3+s16], $0x10, s23, s16, $0xb8;
	[tilespmem:$0x1C800] =	vst v63  }
0x1d: {  	s21 =	simm.s32 $0x280;
	s22 =	simm.s32 $0x3000  }
0x1e: {  	[tilespmem:s22], [sflag:$0x1] =	stream.indirect.gather [hbm4b:s3+s16], $0x10, s21, s16, $0xb8;
	[tilespmem:$0x1C800] =	vst v63  }
0x1f: {  	s23 =	simm.s32 $0x300;
	s24 =	simm.s32 $0x3800  }
0x20: {  	[tilespmem:s24], [sflag:$0x1] =	stream.indirect.gather [hbm4b:s3+s16], $0x10, s23, s16, $0xb8;
	[tilespmem:$0x1C800] =	vst v63  }
0x21: {  	s21 =	simm.s32 $0x380;
	s22 =	simm.s32 $0x4000  }
0x22: {  	[tilespmem:s22], [sflag:$0x1] =	stream.indirect.gather [hbm4b:s3+s16], $0x10, s21, s16, $0xb8;
	[tilespmem:$0x1C800] =	vst v63  }
0x23: {  	s23 =	simm.s32 $0x400;
	s24 =	simm.s32 $0x4800  }
0x24: {  	[tilespmem:s24], [sflag:$0x1] =	stream.indirect.gather [hbm4b:s3+s16], $0x10, s23, s16, $0xb8;
	[tilespmem:$0x1C800] =	vst v63  }
0x25: {  	s21 =	simm.s32 $0x480;
	s22 =	simm.s32 $0x5000  }
0x26: {  	[tilespmem:s22], [sflag:$0x1] =	stream.indirect.gather [hbm4b:s3+s16], $0x10, s21, s16, $0xb8;
	[tilespmem:$0x1C800] =	vst v63  }
0x27: {  	s23 =	simm.s32 $0x500;
	s24 =	simm.s32 $0x5800  }
0x28: {  	[tilespmem:s24], [sflag:$0x1] =	stream.indirect.gather [hbm4b:s3+s16], $0x10, s23, s16, $0xb8;
	[tilespmem:$0x1C800] =	vst v63  }
0x29: {  	s21 =	simm.s32 $0x580;
	s22 =	simm.s32 $0x6000  }
0x2a: {  	[tilespmem:s22], [sflag:$0x1] =	stream.indirect.gather [hbm4b:s3+s16], $0x10, s21, s16, $0xb8;
	[tilespmem:$0x1C800] =	vst v63  }
0x2b: {  	s23 =	simm.s32 $0x600;
	s24 =	simm.s32 $0x6800  }
0x2c: {  	[tilespmem:s24], [sflag:$0x1] =	stream.indirect.gather [hbm4b:s3+s16], $0x10, s23, s16, $0xb8;
	[tilespmem:$0x1C800] =	vst v63  }
0x2d: {  	_ = 	snop  }
0x2e: {  	[tilespmem:s26], [sflag:$0x1] =	stream.indirect.gather [hbm4b:s3+s16], $0x10, s25, s16, $0xb8;
	[tilespmem:$0x1C800] =	vst v63  }
0x2f: {  	_ = 	snop  }
0x30: {  	[tilespmem:s29], [sflag:$0x1] =	stream.indirect.gather [hbm4b:s3+s16], $0x10, s28, s16, $0xb8;
	[tilespmem:$0x1C800] =	vst v63  }
0x31: {  	_ = 	snop  }
0x32: {  	[tilespmem:s31], [sflag:$0x1] =	stream.indirect.gather [hbm4b:s3+s16], $0x10, s30, s16, $0xb8;
	[tilespmem:$0x1C800] =	vst v63  }
0x33: {  	_ = 	snop  }
0x34: {  	[tilespmem:s0], [sflag:$0x2] =	stream.linear.gather [hbm4b:s4+s2], $0x2000, $0x38;
	[tilespmem:$0x1C800] =	vst v63  }
0x35: {  	_ =	swait.ge [sflag:s15], $0x2000  }
0x36: {  	[sflag:s15] =	ssyncset.done $0x0  }
0x37: {  	[sflag:s15] =	ssyncadd.s32 $0xFFFFE000  }
0x38: {  	[tilespmem:s1], [sflag:$0x2] =	stream.linear.gather [hbm4b:s5+s2], $0x2000, $0x38;
	[tilespmem:$0x1C800] =	vst v63  }
0x39: {  	_ =	swait.ge [sflag:s15], $0x2000  }
0x3a: {  	[sflag:s15] =	ssyncset.done $0x0  }
0x3b: {  	[sflag:s15] =	ssyncadd.s32 $0xFFFFE000  }
0x3c: {  	_ =	swait.ge [sflag:s17], $0x800  }
0x3d: {  	[sflag:s17] =	ssyncset.done $0x0  }
0x3e: {  	[sflag:s17] =	ssyncadd.s32 $0xFFFFF800  }
0x3f: {  	_ =	swait.ge [sflag:s17], $0x800  }
0x40: {  	[sflag:s17] =	ssyncset.done $0x0  }
0x41: {  	[sflag:s17] =	ssyncadd.s32 $0xFFFFF800  }
0x42: {  	_ =	swait.ge [sflag:s17], $0x800  }
0x43: {  	[sflag:s17] =	ssyncset.done $0x0  }
0x44: {  	[sflag:s17] =	ssyncadd.s32 $0xFFFFF800  }
0x45: {  	_ =	swait.ge [sflag:s17], $0x800  }
0x46: {  	[sflag:s17] =	ssyncset.done $0x0  }
0x47: {  	s23 =	simm.s32 $0x820;
	[sflag:s17] =	ssyncadd.s32 $0xFFFFF800  }
0x48: {  	s20 =	simm.s32 $0x18820;
	v0 =	vld [tilespmem:s23+$0xFFFFFFE0]  }
0x49: {  	v1 =	vld [tilespmem:s20+$0xFFFFFFE0];
	_ =	sdelay $0x3  }
0x4a: {  	v2 =	vshll.u32 v0, $0x10  }
0x4b: {  	v1 =	vadd.f32 v2, v1  }
0x4c: {  	s21 =	simm.s32 $0x8840  }
0x4d: {  	s22 =	simm.s32 $0x1A820;
	[tilespmem:s21+$0xFFFFFFC0] =	vst v1  }
0x4e: {  	v1 =	vld [tilespmem:s22+$0xFFFFFFE0];
	_ =	sdelay $0x3  }
0x4f: {  	v0 =	vand.u32 $0xFFFF0000, v0  }
0x50: {  	v0 =	vadd.f32 v0, v1;
	_ =	sdelay $0x1  }
0x51: {  	[tilespmem:s21+$0xFFFFFFD0] =	vst v0  }
0x52: {  	v0 =	vld [tilespmem:s23+$0xFFFFFFF0]  }
0x53: {  	v58 =	vld [tilespmem:s20+$0xFFFFFFF0];
	_ =	sdelay $0x3  }
0x54: {  	v59 =	vshll.u32 v0, $0x10  }
0x55: {  	v1 =	vadd.f32 v59, v58;
	_ =	sdelay $0x1  }
0x56: {  	[tilespmem:s21+$0xFFFFFFE0] =	vst v1  }
0x57: {  	v1 =	vld [tilespmem:s22+$0xFFFFFFF0];
	_ =	sdelay $0x3  }
0x58: {  	v0 =	vand.u32 $0xFFFF0000, v0  }
0x59: {  	v0 =	vadd.f32 v0, v1;
	_ =	sdelay $0x1  }
0x5a: {  	[tilespmem:s21+$0xFFFFFFF0] =	vst v0  }
0x5b: {  	v0 =	vld [tilespmem:s23+$0x0]  }
0x5c: {  	v60 =	vld [tilespmem:s20+$0x0];
	_ =	sdelay $0x3  }
0x5d: {  	v61 =	vshll.u32 v0, $0x10  }
0x5e: {  	v1 =	vadd.f32 v61, v60;
	_ =	sdelay $0x1  }
0x5f: {  	[tilespmem:s21+$0x0] =	vst v1  }
0x60: {  	v1 =	vld [tilespmem:s22+$0x0];
	_ =	sdelay $0x3  }
0x61: {  	v0 =	vand.u32 $0xFFFF0000, v0  }
0x62: {  	v0 =	vadd.f32 v0, v1;
	_ =	sdelay $0x1  }
0x63: {  	[tilespmem:s21+$0x10] =	vst v0  }
0x64: {  	v0 =	vld [tilespmem:s23+$0x10]  }
0x65: {  	v62 =	vld [tilespmem:s20+$0x10];
	_ =	sdelay $0x3  }
0x66: {  	v63 =	vshll.u32 v0, $0x10  }
0x67: {  	v1 =	vadd.f32 v63, v62;
	_ =	sdelay $0x1  }
0x68: {  	[tilespmem:s21+$0x20] =	vst v1  }
0x69: {  	v1 =	vld [tilespmem:s22+$0x10];
	_ =	sdelay $0x3  }
0x6a: {  	v0 =	vand.u32 $0xFFFF0000, v0  }
0x6b: {  	v0 =	vadd.f32 v0, v1;
	_ =	sdelay $0x1  }
0x6c: {  	s24 =	simm.s32 $0x860;
	s23 =	simm.s32 $0x0;
	[tilespmem:s21+$0x30] =	vst v0  }
.LBB2_2:
0x6d: {  	v0 =	vld [tilespmem:s24+$0xFFFFFFE0];
	s23 =	sadd.s32 $0x4, s23;
	s20 =	sadd.s32 $0x40, s20  }
0x6e: {  	v1 =	vld [tilespmem:s20+$0xFFFFFFE0];
	p0 =	slt.u32 s23, $0x1FC;
	_ =	sdelay $0x3  }
0x6f: {  	v2 =	vshll.u32 v0, $0x10;
	v0 =	vand.u32 $0xFFFF0000, v0  }
0x70: {  	v1 =	vadd.f32 v2, v1  }
0x71: {  	s21 =	sadd.s32 $0x80, s21  }
0x72: {  	s22 =	sadd.s32 $0x40, s22;
	[tilespmem:s21+$0xFFFFFFC0] =	vst v1  }
0x73: {  	v1 =	vld [tilespmem:s22+$0xFFFFFFE0];
	_ =	sdelay $0x4  }
0x74: {  	v0 =	vadd.f32 v0, v1;
	_ =	sdelay $0x1  }
0x75: {  	[tilespmem:s21+$0xFFFFFFD0] =	vst v0  }
0x76: {  	v0 =	vld [tilespmem:s24+$0xFFFFFFF0]  }
0x77: {  	v1 =	vld [tilespmem:s20+$0xFFFFFFF0];
	_ =	sdelay $0x3  }
0x78: {  	v2 =	vshll.u32 v0, $0x10  }
0x79: {  	v1 =	vadd.f32 v2, v1;
	_ =	sdelay $0x1  }
0x7a: {  	[tilespmem:s21+$0xFFFFFFE0] =	vst v1  }
0x7b: {  	v1 =	vld [tilespmem:s22+$0xFFFFFFF0];
	_ =	sdelay $0x3  }
0x7c: {  	v0 =	vand.u32 $0xFFFF0000, v0  }
0x7d: {  	v0 =	vadd.f32 v0, v1;
	_ =	sdelay $0x1  }
0x7e: {  	[tilespmem:s21+$0xFFFFFFF0] =	vst v0  }
0x7f: {  	v0 =	vld [tilespmem:s24+$0x0]  }
0x80: {  	v1 =	vld [tilespmem:s20+$0x0];
	_ =	sdelay $0x3  }
0x81: {  	v2 =	vshll.u32 v0, $0x10  }
0x82: {  	v1 =	vadd.f32 v2, v1;
	_ =	sdelay $0x1  }
0x83: {  	[tilespmem:s21+$0x0] =	vst v1  }
0x84: {  	v1 =	vld [tilespmem:s22+$0x0];
	_ =	sdelay $0x3  }
0x85: {  	v0 =	vand.u32 $0xFFFF0000, v0  }
0x86: {  	v0 =	vadd.f32 v0, v1;
	_ =	sdelay $0x1  }
0x87: {  	[tilespmem:s21+$0x10] =	vst v0  }
0x88: {  	v0 =	vld [tilespmem:s24+$0x10]  }
0x89: {  	v1 =	vld [tilespmem:s20+$0x10];
	_ =	sdelay $0x3  }
0x8a: {  	v2 =	vshll.u32 v0, $0x10  }
0x8b: {  	v1 =	vadd.f32 v2, v1;
	_ =	sdelay $0x1  }
0x8c: {  	[tilespmem:s21+$0x20] =	vst v1  }
0x8d: {  	v1 =	vld [tilespmem:s22+$0x10];
	_ =	sdelay $0x2  }
.Ltmp0:
0x8e: {  	(pc) =	sbr.rel @p0 .LBB2_2-.Ltmp0, $3  }
0x8f: {  	v0 =	vand.u32 $0xFFFF0000, v0  }
0x90: {  	v0 =	vadd.f32 v0, v1;
	_ =	sdelay $0x1  }
0x91: {  	s24 =	sadd.s32 $0x40, s24;
	[tilespmem:s21+$0x30] =	vst v0  }
0x92: {  	[tilespmem:s0], [sflag:$0x2] =	stream.linear.gather [hbm4b:s7+s2], $0x2000, $0x38;
	[tilespmem:$0x1C800] =	vst v63  }
0x93: {  	_ =	swait.ge [sflag:s15], $0x2000  }
0x94: {  	[sflag:s15] =	ssyncset.done $0x0  }
0x95: {  	[sflag:s15] =	ssyncadd.s32 $0xFFFFE000  }
0x96: {  	[tilespmem:s1], [sflag:$0x2] =	stream.linear.gather [hbm4b:s11+s2], $0x2000, $0x38;
	[tilespmem:$0x1C800] =	vst v63  }
0x97: {  	_ =	swait.ge [sflag:s15], $0x2000  }
0x98: {  	[sflag:s15] =	ssyncset.done $0x0  }
0x99: {  	[sflag:s15] =	ssyncadd.s32 $0xFFFFE000  }
0x9a: {  	_ =	swait.ge [sflag:s17], $0x800  }
0x9b: {  	[sflag:s17] =	ssyncset.done $0x0  }
0x9c: {  	[sflag:s17] =	ssyncadd.s32 $0xFFFFF800  }
0x9d: {  	_ =	swait.ge [sflag:s17], $0x800  }
0x9e: {  	[sflag:s17] =	ssyncset.done $0x0  }
0x9f: {  	[sflag:s17] =	ssyncadd.s32 $0xFFFFF800  }
0xa0: {  	_ =	swait.ge [sflag:s17], $0x800  }
0xa1: {  	[sflag:s17] =	ssyncset.done $0x0  }
0xa2: {  	[sflag:s17] =	ssyncadd.s32 $0xFFFFF800  }
0xa3: {  	_ =	swait.ge [sflag:s17], $0x800  }
0xa4: {  	[sflag:s17] =	ssyncset.done $0x0  }
0xa5: {  	s23 =	simm.s32 $0x2830;
	[sflag:s17] =	ssyncadd.s32 $0xFFFFF800  }
0xa6: {  	s20 =	simm.s32 $0x18820;
	v0 =	vld [tilespmem:s23+$0xFFFFFFD0]  }
0xa7: {  	v1 =	vld [tilespmem:s20+$0xFFFFFFE0];
	_ =	sdelay $0x3  }
0xa8: {  	v2 =	vshll.u32 v0, $0x10  }
0xa9: {  	v1 =	vadd.f32 v2, v1  }
0xaa: {  	s21 =	simm.s32 $0xC800  }
0xab: {  	s22 =	simm.s32 $0x1A820;
	[tilespmem:s21+$0x0] =	vst v1  }
0xac: {  	v1 =	vld [tilespmem:s22+$0xFFFFFFE0];
	_ =	sdelay $0x3  }
0xad: {  	v0 =	vand.u32 $0xFFFF0000, v0  }
0xae: {  	v0 =	vadd.f32 v0, v1;
	_ =	sdelay $0x1  }
0xaf: {  	[tilespmem:s21+$0x10] =	vst v0  }
0xb0: {  	v0 =	vld [tilespmem:s23+$0xFFFFFFE0]  }
0xb1: {  	v58 =	vld [tilespmem:s20+$0xFFFFFFF0];
	_ =	sdelay $0x3  }
0xb2: {  	v59 =	vshll.u32 v0, $0x10  }
0xb3: {  	v1 =	vadd.f32 v59, v58;
	_ =	sdelay $0x1  }
0xb4: {  	[tilespmem:s21+$0x20] =	vst v1  }
0xb5: {  	v1 =	vld [tilespmem:s22+$0xFFFFFFF0];
	_ =	sdelay $0x3  }
0xb6: {  	v0 =	vand.u32 $0xFFFF0000, v0  }
0xb7: {  	v0 =	vadd.f32 v0, v1;
	_ =	sdelay $0x1  }
0xb8: {  	[tilespmem:s21+$0x30] =	vst v0  }
0xb9: {  	v0 =	vld [tilespmem:s23+$0xFFFFFFF0]  }
0xba: {  	v60 =	vld [tilespmem:s20+$0x0];
	_ =	sdelay $0x3  }
0xbb: {  	v61 =	vshll.u32 v0, $0x10  }
0xbc: {  	v1 =	vadd.f32 v61, v60;
	_ =	sdelay $0x1  }
0xbd: {  	[tilespmem:s21+$0x40] =	vst v1  }
0xbe: {  	v1 =	vld [tilespmem:s22+$0x0];
	_ =	sdelay $0x3  }
0xbf: {  	v0 =	vand.u32 $0xFFFF0000, v0  }
0xc0: {  	v0 =	vadd.f32 v0, v1;
	_ =	sdelay $0x1  }
0xc1: {  	[tilespmem:s21+$0x50] =	vst v0  }
0xc2: {  	v0 =	vld [tilespmem:s23+$0x0]  }
0xc3: {  	v62 =	vld [tilespmem:s20+$0x10];
	_ =	sdelay $0x3  }
0xc4: {  	v63 =	vshll.u32 v0, $0x10  }
0xc5: {  	v1 =	vadd.f32 v63, v62;
	_ =	sdelay $0x1  }
0xc6: {  	[tilespmem:s21+$0x60] =	vst v1  }
0xc7: {  	v1 =	vld [tilespmem:s22+$0x10];
	_ =	sdelay $0x3  }
0xc8: {  	v0 =	vand.u32 $0xFFFF0000, v0  }
0xc9: {  	v0 =	vadd.f32 v0, v1;
	_ =	sdelay $0x1  }
0xca: {  	s24 =	simm.s32 $0x2870;
	s23 =	simm.s32 $0x0;
	[tilespmem:s21+$0x70] =	vst v0  }
.LBB2_4:
0xcb: {  	v0 =	vld [tilespmem:s24+$0xFFFFFFD0];
	s23 =	sadd.s32 $0x4, s23;
	s20 =	sadd.s32 $0x40, s20  }
0xcc: {  	v1 =	vld [tilespmem:s20+$0xFFFFFFE0];
	p0 =	slt.u32 s23, $0x1FC;
	_ =	sdelay $0x3  }
0xcd: {  	v2 =	vshll.u32 v0, $0x10;
	v0 =	vand.u32 $0xFFFF0000, v0  }
0xce: {  	v1 =	vadd.f32 v2, v1  }
0xcf: {  	s21 =	sadd.s32 $0x80, s21  }
0xd0: {  	s22 =	sadd.s32 $0x40, s22;
	[tilespmem:s21+$0x0] =	vst v1  }
0xd1: {  	v1 =	vld [tilespmem:s22+$0xFFFFFFE0];
	_ =	sdelay $0x4  }
0xd2: {  	v0 =	vadd.f32 v0, v1;
	_ =	sdelay $0x1  }
0xd3: {  	[tilespmem:s21+$0x10] =	vst v0  }
0xd4: {  	v0 =	vld [tilespmem:s24+$0xFFFFFFE0]  }
0xd5: {  	v1 =	vld [tilespmem:s20+$0xFFFFFFF0];
	_ =	sdelay $0x3  }
0xd6: {  	v2 =	vshll.u32 v0, $0x10  }
0xd7: {  	v1 =	vadd.f32 v2, v1;
	_ =	sdelay $0x1  }
0xd8: {  	[tilespmem:s21+$0x20] =	vst v1  }
0xd9: {  	v1 =	vld [tilespmem:s22+$0xFFFFFFF0];
	_ =	sdelay $0x3  }
0xda: {  	v0 =	vand.u32 $0xFFFF0000, v0  }
0xdb: {  	v0 =	vadd.f32 v0, v1;
	_ =	sdelay $0x1  }
0xdc: {  	[tilespmem:s21+$0x30] =	vst v0  }
0xdd: {  	v0 =	vld [tilespmem:s24+$0xFFFFFFF0]  }
0xde: {  	v1 =	vld [tilespmem:s20+$0x0];
	_ =	sdelay $0x3  }
0xdf: {  	v2 =	vshll.u32 v0, $0x10  }
0xe0: {  	v1 =	vadd.f32 v2, v1;
	_ =	sdelay $0x1  }
0xe1: {  	[tilespmem:s21+$0x40] =	vst v1  }
0xe2: {  	v1 =	vld [tilespmem:s22+$0x0];
	_ =	sdelay $0x3  }
0xe3: {  	v0 =	vand.u32 $0xFFFF0000, v0  }
0xe4: {  	v0 =	vadd.f32 v0, v1;
	_ =	sdelay $0x1  }
0xe5: {  	[tilespmem:s21+$0x50] =	vst v0  }
0xe6: {  	v0 =	vld [tilespmem:s24+$0x0]  }
0xe7: {  	v1 =	vld [tilespmem:s20+$0x10];
	_ =	sdelay $0x3  }
0xe8: {  	v2 =	vshll.u32 v0, $0x10  }
0xe9: {  	v1 =	vadd.f32 v2, v1;
	_ =	sdelay $0x1  }
0xea: {  	[tilespmem:s21+$0x60] =	vst v1  }
0xeb: {  	v1 =	vld [tilespmem:s22+$0x10];
	_ =	sdelay $0x2  }
.Ltmp1:
0xec: {  	(pc) =	sbr.rel @p0 .LBB2_4-.Ltmp1, $3  }
0xed: {  	v0 =	vand.u32 $0xFFFF0000, v0  }
0xee: {  	v0 =	vadd.f32 v0, v1;
	_ =	sdelay $0x1  }
0xef: {  	s24 =	sadd.s32 $0x40, s24;
	[tilespmem:s21+$0x70] =	vst v0  }
0xf0: {  	[tilespmem:s0], [sflag:$0x2] =	stream.linear.gather [hbm4b:s8+s2], $0x2000, $0x38;
	[tilespmem:$0x1C800] =	vst v63  }
0xf1: {  	_ =	swait.ge [sflag:s15], $0x2000  }
0xf2: {  	[sflag:s15] =	ssyncset.done $0x0  }
0xf3: {  	[sflag:s15] =	ssyncadd.s32 $0xFFFFE000  }
0xf4: {  	[tilespmem:s1], [sflag:$0x2] =	stream.linear.gather [hbm4b:s9+s2], $0x2000, $0x38;
	[tilespmem:$0x1C800] =	vst v63  }
0xf5: {  	_ =	swait.ge [sflag:s15], $0x2000  }
0xf6: {  	[sflag:s15] =	ssyncset.done $0x0  }
0xf7: {  	[sflag:s15] =	ssyncadd.s32 $0xFFFFE000  }
0xf8: {  	_ =	swait.ge [sflag:s17], $0x800  }
0xf9: {  	[sflag:s17] =	ssyncset.done $0x0  }
0xfa: {  	[sflag:s17] =	ssyncadd.s32 $0xFFFFF800  }
0xfb: {  	_ =	swait.ge [sflag:s17], $0x800  }
0xfc: {  	[sflag:s17] =	ssyncset.done $0x0  }
0xfd: {  	[sflag:s17] =	ssyncadd.s32 $0xFFFFF800  }
0xfe: {  	_ =	swait.ge [sflag:s17], $0x800  }
0xff: {  	[sflag:s17] =	ssyncset.done $0x0  }
0x100: {  	[sflag:s17] =	ssyncadd.s32 $0xFFFFF800  }
0x101: {  	_ =	swait.ge [sflag:s17], $0x800  }
0x102: {  	[sflag:s17] =	ssyncset.done $0x0  }
0x103: {  	s23 =	simm.s32 $0x4800;
	[sflag:s17] =	ssyncadd.s32 $0xFFFFF800  }
0x104: {  	s20 =	simm.s32 $0x18820;
	v0 =	vld [tilespmem:s23+$0x0]  }
0x105: {  	v1 =	vld [tilespmem:s20+$0xFFFFFFE0];
	_ =	sdelay $0x3  }
0x106: {  	v2 =	vshll.u32 v0, $0x10  }
0x107: {  	v1 =	vadd.f32 v2, v1  }
0x108: {  	s21 =	simm.s32 $0x10800  }
0x109: {  	s22 =	simm.s32 $0x1A820;
	[tilespmem:s21+$0x0] =	vst v1  }
0x10a: {  	v1 =	vld [tilespmem:s22+$0xFFFFFFE0];
	_ =	sdelay $0x3  }
0x10b: {  	v0 =	vand.u32 $0xFFFF0000, v0  }
0x10c: {  	v0 =	vadd.f32 v0, v1;
	_ =	sdelay $0x1  }
0x10d: {  	[tilespmem:s21+$0x10] =	vst v0  }
0x10e: {  	v0 =	vld [tilespmem:s23+$0x10]  }
0x10f: {  	v58 =	vld [tilespmem:s20+$0xFFFFFFF0];
	_ =	sdelay $0x3  }
0x110: {  	v59 =	vshll.u32 v0, $0x10  }
0x111: {  	v1 =	vadd.f32 v59, v58;
	_ =	sdelay $0x1  }
0x112: {  	[tilespmem:s21+$0x20] =	vst v1  }
0x113: {  	v1 =	vld [tilespmem:s22+$0xFFFFFFF0];
	_ =	sdelay $0x3  }
0x114: {  	v0 =	vand.u32 $0xFFFF0000, v0  }
0x115: {  	v0 =	vadd.f32 v0, v1;
	_ =	sdelay $0x1  }
0x116: {  	[tilespmem:s21+$0x30] =	vst v0  }
0x117: {  	v0 =	vld [tilespmem:s23+$0x20]  }
0x118: {  	v60 =	vld [tilespmem:s20+$0x0];
	_ =	sdelay $0x3  }
0x119: {  	v61 =	vshll.u32 v0, $0x10  }
0x11a: {  	v1 =	vadd.f32 v61, v60;
	_ =	sdelay $0x1  }
0x11b: {  	[tilespmem:s21+$0x40] =	vst v1  }
0x11c: {  	v1 =	vld [tilespmem:s22+$0x0];
	_ =	sdelay $0x3  }
0x11d: {  	v0 =	vand.u32 $0xFFFF0000, v0  }
0x11e: {  	v0 =	vadd.f32 v0, v1;
	_ =	sdelay $0x1  }
0x11f: {  	[tilespmem:s21+$0x50] =	vst v0  }
0x120: {  	v0 =	vld [tilespmem:s23+$0x30]  }
0x121: {  	v62 =	vld [tilespmem:s20+$0x10];
	_ =	sdelay $0x3  }
0x122: {  	v63 =	vshll.u32 v0, $0x10  }
0x123: {  	v1 =	vadd.f32 v63, v62;
	_ =	sdelay $0x1  }
0x124: {  	[tilespmem:s21+$0x60] =	vst v1  }
0x125: {  	v1 =	vld [tilespmem:s22+$0x10];
	_ =	sdelay $0x3  }
0x126: {  	v0 =	vand.u32 $0xFFFF0000, v0  }
0x127: {  	v0 =	vadd.f32 v0, v1;
	_ =	sdelay $0x1  }
0x128: {  	s24 =	simm.s32 $0x4840;
	s23 =	simm.s32 $0x0;
	[tilespmem:s21+$0x70] =	vst v0  }
.LBB2_6:
0x129: {  	v0 =	vld [tilespmem:s24+$0x0];
	s23 =	sadd.s32 $0x4, s23;
	s20 =	sadd.s32 $0x40, s20  }
0x12a: {  	v1 =	vld [tilespmem:s20+$0xFFFFFFE0];
	p0 =	slt.u32 s23, $0x1FC;
	_ =	sdelay $0x3  }
0x12b: {  	v2 =	vshll.u32 v0, $0x10;
	v0 =	vand.u32 $0xFFFF0000, v0  }
0x12c: {  	v1 =	vadd.f32 v2, v1  }
0x12d: {  	s21 =	sadd.s32 $0x80, s21  }
0x12e: {  	s22 =	sadd.s32 $0x40, s22;
	[tilespmem:s21+$0x0] =	vst v1  }
0x12f: {  	v1 =	vld [tilespmem:s22+$0xFFFFFFE0];
	_ =	sdelay $0x4  }
0x130: {  	v0 =	vadd.f32 v0, v1;
	_ =	sdelay $0x1  }
0x131: {  	[tilespmem:s21+$0x10] =	vst v0  }
0x132: {  	v0 =	vld [tilespmem:s24+$0x10]  }
0x133: {  	v1 =	vld [tilespmem:s20+$0xFFFFFFF0];
	_ =	sdelay $0x3  }
0x134: {  	v2 =	vshll.u32 v0, $0x10  }
0x135: {  	v1 =	vadd.f32 v2, v1;
	_ =	sdelay $0x1  }
0x136: {  	[tilespmem:s21+$0x20] =	vst v1  }
0x137: {  	v1 =	vld [tilespmem:s22+$0xFFFFFFF0];
	_ =	sdelay $0x3  }
0x138: {  	v0 =	vand.u32 $0xFFFF0000, v0  }
0x139: {  	v0 =	vadd.f32 v0, v1;
	_ =	sdelay $0x1  }
0x13a: {  	[tilespmem:s21+$0x30] =	vst v0  }
0x13b: {  	v0 =	vld [tilespmem:s24+$0x20]  }
0x13c: {  	v1 =	vld [tilespmem:s20+$0x0];
	_ =	sdelay $0x3  }
0x13d: {  	v2 =	vshll.u32 v0, $0x10  }
0x13e: {  	v1 =	vadd.f32 v2, v1;
	_ =	sdelay $0x1  }
0x13f: {  	[tilespmem:s21+$0x40] =	vst v1  }
0x140: {  	v1 =	vld [tilespmem:s22+$0x0];
	_ =	sdelay $0x3  }
0x141: {  	v0 =	vand.u32 $0xFFFF0000, v0  }
0x142: {  	v0 =	vadd.f32 v0, v1;
	_ =	sdelay $0x1  }
0x143: {  	[tilespmem:s21+$0x50] =	vst v0  }
0x144: {  	v0 =	vld [tilespmem:s24+$0x30]  }
0x145: {  	v1 =	vld [tilespmem:s20+$0x10];
	_ =	sdelay $0x3  }
0x146: {  	v2 =	vshll.u32 v0, $0x10  }
0x147: {  	v1 =	vadd.f32 v2, v1;
	_ =	sdelay $0x1  }
0x148: {  	[tilespmem:s21+$0x60] =	vst v1  }
0x149: {  	v1 =	vld [tilespmem:s22+$0x10];
	_ =	sdelay $0x2  }
.Ltmp2:
0x14a: {  	(pc) =	sbr.rel @p0 .LBB2_6-.Ltmp2, $3  }
0x14b: {  	v0 =	vand.u32 $0xFFFF0000, v0  }
0x14c: {  	v0 =	vadd.f32 v0, v1;
	_ =	sdelay $0x1  }
0x14d: {  	s24 =	sadd.s32 $0x40, s24;
	[tilespmem:s21+$0x70] =	vst v0  }
0x14e: {  	[tilespmem:s0], [sflag:$0x2] =	stream.linear.gather [hbm4b:s10+s2], $0x2000, $0x38;
	[tilespmem:$0x1C800] =	vst v63  }
0x14f: {  	_ =	swait.ge [sflag:s15], $0x2000  }
0x150: {  	[sflag:s15] =	ssyncset.done $0x0  }
0x151: {  	[sflag:s15] =	ssyncadd.s32 $0xFFFFE000  }
0x152: {  	[tilespmem:s1], [sflag:$0x2] =	stream.linear.gather [hbm4b:s12+s2], $0x2000, $0x38;
	[tilespmem:$0x1C800] =	vst v63  }
0x153: {  	_ =	swait.ge [sflag:s15], $0x2000  }
0x154: {  	[sflag:s15] =	ssyncset.done $0x0  }
0x155: {  	[sflag:s15] =	ssyncadd.s32 $0xFFFFE000  }
0x156: {  	_ =	swait.ge [sflag:s17], $0x800  }
0x157: {  	[sflag:s17] =	ssyncset.done $0x0  }
0x158: {  	[sflag:s17] =	ssyncadd.s32 $0xFFFFF800  }
0x159: {  	_ =	swait.ge [sflag:s17], $0x800  }
0x15a: {  	[sflag:s17] =	ssyncset.done $0x0  }
0x15b: {  	[sflag:s17] =	ssyncadd.s32 $0xFFFFF800  }
0x15c: {  	_ =	swait.ge [sflag:s17], $0x800  }
0x15d: {  	[sflag:s17] =	ssyncset.done $0x0  }
0x15e: {  	[sflag:s17] =	ssyncadd.s32 $0xFFFFF800  }
0x15f: {  	_ =	swait.ge [sflag:s17], $0x800  }
0x160: {  	[sflag:s17] =	ssyncset.done $0x0  }
0x161: {  	s23 =	simm.s32 $0x6800;
	[sflag:s17] =	ssyncadd.s32 $0xFFFFF800  }
0x162: {  	s20 =	simm.s32 $0x18820;
	v0 =	vld [tilespmem:s23+$0x0]  }
0x163: {  	v1 =	vld [tilespmem:s20+$0xFFFFFFE0];
	_ =	sdelay $0x3  }
0x164: {  	v2 =	vshll.u32 v0, $0x10  }
0x165: {  	v1 =	vadd.f32 v2, v1  }
0x166: {  	s21 =	simm.s32 $0x14800  }
0x167: {  	s22 =	simm.s32 $0x1A820;
	[tilespmem:s21+$0x0] =	vst v1  }
0x168: {  	v1 =	vld [tilespmem:s22+$0xFFFFFFE0];
	_ =	sdelay $0x3  }
0x169: {  	v0 =	vand.u32 $0xFFFF0000, v0  }
0x16a: {  	v0 =	vadd.f32 v0, v1;
	_ =	sdelay $0x1  }
0x16b: {  	[tilespmem:s21+$0x10] =	vst v0  }
0x16c: {  	v0 =	vld [tilespmem:s23+$0x10]  }
0x16d: {  	v58 =	vld [tilespmem:s20+$0xFFFFFFF0];
	_ =	sdelay $0x3  }
0x16e: {  	v59 =	vshll.u32 v0, $0x10  }
0x16f: {  	v1 =	vadd.f32 v59, v58;
	_ =	sdelay $0x1  }
0x170: {  	[tilespmem:s21+$0x20] =	vst v1  }
0x171: {  	v1 =	vld [tilespmem:s22+$0xFFFFFFF0];
	_ =	sdelay $0x3  }
0x172: {  	v0 =	vand.u32 $0xFFFF0000, v0  }
0x173: {  	v0 =	vadd.f32 v0, v1;
	_ =	sdelay $0x1  }
0x174: {  	[tilespmem:s21+$0x30] =	vst v0  }
0x175: {  	v0 =	vld [tilespmem:s23+$0x20]  }
0x176: {  	v60 =	vld [tilespmem:s20+$0x0];
	_ =	sdelay $0x3  }
0x177: {  	v61 =	vshll.u32 v0, $0x10  }
0x178: {  	v1 =	vadd.f32 v61, v60;
	_ =	sdelay $0x1  }
0x179: {  	[tilespmem:s21+$0x40] =	vst v1  }
0x17a: {  	v1 =	vld [tilespmem:s22+$0x0];
	_ =	sdelay $0x3  }
0x17b: {  	v0 =	vand.u32 $0xFFFF0000, v0  }
0x17c: {  	v0 =	vadd.f32 v0, v1;
	_ =	sdelay $0x1  }
0x17d: {  	[tilespmem:s21+$0x50] =	vst v0  }
0x17e: {  	v0 =	vld [tilespmem:s23+$0x30]  }
0x17f: {  	v62 =	vld [tilespmem:s20+$0x10];
	_ =	sdelay $0x3  }
0x180: {  	v63 =	vshll.u32 v0, $0x10  }
0x181: {  	v1 =	vadd.f32 v63, v62;
	_ =	sdelay $0x1  }
0x182: {  	[tilespmem:s21+$0x60] =	vst v1  }
0x183: {  	v1 =	vld [tilespmem:s22+$0x10];
	_ =	sdelay $0x3  }
0x184: {  	v0 =	vand.u32 $0xFFFF0000, v0  }
0x185: {  	v0 =	vadd.f32 v0, v1;
	_ =	sdelay $0x1  }
0x186: {  	s24 =	simm.s32 $0x6840;
	s23 =	simm.s32 $0x0;
	[tilespmem:s21+$0x70] =	vst v0  }
.LBB2_8:
0x187: {  	v0 =	vld [tilespmem:s24+$0x0];
	s23 =	sadd.s32 $0x4, s23;
	s20 =	sadd.s32 $0x40, s20  }
0x188: {  	v1 =	vld [tilespmem:s20+$0xFFFFFFE0];
	p0 =	slt.u32 s23, $0x1FC;
	_ =	sdelay $0x3  }
0x189: {  	v2 =	vshll.u32 v0, $0x10;
	v0 =	vand.u32 $0xFFFF0000, v0  }
0x18a: {  	v1 =	vadd.f32 v2, v1  }
0x18b: {  	s21 =	sadd.s32 $0x80, s21  }
0x18c: {  	s22 =	sadd.s32 $0x40, s22;
	[tilespmem:s21+$0x0] =	vst v1  }
0x18d: {  	v1 =	vld [tilespmem:s22+$0xFFFFFFE0];
	_ =	sdelay $0x4  }
0x18e: {  	v0 =	vadd.f32 v0, v1;
	_ =	sdelay $0x1  }
0x18f: {  	[tilespmem:s21+$0x10] =	vst v0  }
0x190: {  	v0 =	vld [tilespmem:s24+$0x10]  }
0x191: {  	v1 =	vld [tilespmem:s20+$0xFFFFFFF0];
	_ =	sdelay $0x3  }
0x192: {  	v2 =	vshll.u32 v0, $0x10  }
0x193: {  	v1 =	vadd.f32 v2, v1;
	_ =	sdelay $0x1  }
0x194: {  	[tilespmem:s21+$0x20] =	vst v1  }
0x195: {  	v1 =	vld [tilespmem:s22+$0xFFFFFFF0];
	_ =	sdelay $0x3  }
0x196: {  	v0 =	vand.u32 $0xFFFF0000, v0  }
0x197: {  	v0 =	vadd.f32 v0, v1;
	_ =	sdelay $0x1  }
0x198: {  	[tilespmem:s21+$0x30] =	vst v0  }
0x199: {  	v0 =	vld [tilespmem:s24+$0x20]  }
0x19a: {  	v1 =	vld [tilespmem:s20+$0x0];
	_ =	sdelay $0x3  }
0x19b: {  	v2 =	vshll.u32 v0, $0x10  }
0x19c: {  	v1 =	vadd.f32 v2, v1;
	_ =	sdelay $0x1  }
0x19d: {  	[tilespmem:s21+$0x40] =	vst v1  }
0x19e: {  	v1 =	vld [tilespmem:s22+$0x0];
	_ =	sdelay $0x3  }
0x19f: {  	v0 =	vand.u32 $0xFFFF0000, v0  }
0x1a0: {  	v0 =	vadd.f32 v0, v1;
	_ =	sdelay $0x1  }
0x1a1: {  	[tilespmem:s21+$0x50] =	vst v0  }
0x1a2: {  	v0 =	vld [tilespmem:s24+$0x30]  }
0x1a3: {  	v1 =	vld [tilespmem:s20+$0x10];
	_ =	sdelay $0x3  }
0x1a4: {  	v2 =	vshll.u32 v0, $0x10  }
0x1a5: {  	v1 =	vadd.f32 v2, v1;
	_ =	sdelay $0x1  }
0x1a6: {  	[tilespmem:s21+$0x60] =	vst v1  }
0x1a7: {  	v1 =	vld [tilespmem:s22+$0x10];
	_ =	sdelay $0x2  }
.Ltmp3:
0x1a8: {  	(pc) =	sbr.rel @p0 .LBB2_8-.Ltmp3, $3  }
0x1a9: {  	v0 =	vand.u32 $0xFFFF0000, v0  }
0x1aa: {  	v0 =	vadd.f32 v0, v1;
	_ =	sdelay $0x1  }
0x1ab: {  	s24 =	sadd.s32 $0x40, s24;
	[tilespmem:s21+$0x70] =	vst v0  }
0x1ac: {  	s19 =	sadd.s32 $0x1, s19  }
0x1ad: {  	p0 =	sne.s32 s19, s14  }
.Ltmp4:
0x1ae: {  	_ = 	snop;
	(pc) =	sbr.rel @p0 .LBB2_1-.Ltmp4, $4  }
0x1af: {  	[hbm4b:s13+s2] =	stream.linear.scatter [tilespmem:s18], [sflag:$0x2], $0x10000, $0x38;
	[tilespmem:$0x1C800] =	vst v63  }
0x1b0: {  	_ =	swait.ge [sflag:s15], $0x10000  }
0x1b1: {  	[sflag:s15] =	ssyncset.done $0x0  }
0x1b2: {  	[sflag:s15] =	ssyncadd.s32 $0xFFFF0000  }
0x1b3: {  	_ =	sfence.sel $0x180000  }
0x1b4: {  	[bflag:$0x0] =	sbarrier.arrive $0xFFFF  }
0x1b5: {  	_ =	strace $0x9000004D  }
0x1b6: {  	s0 =	stileid.u32;
	[bflag:$0x2] =	sbarrier.arrive $0xFFFF  }
0x1b7: {  	p0 =	sne.s32 s0, $0x0;
	s0 =	rddreg [dreg:$0x2]  }
0x1b8: {  	s0 =	sadd.s32 @!p0 $0x100000, s0  }
0x1b9: {  	[sflag:s0] =	ssyncadd.tile.s32 @!p0 $0x1;
	_ =	shalt  }
.Lfunc_end2:
_tile_overlayer_lowered:
.L_overlay_start_2:
0x1ba: {  	(tag) =	ssettag $0x2  }
0x1bb: {  	s0 =	rddreg [dreg:$0x0];
	s2 =	stileid.u32  }
0x1bc: {  	s1 =	rddreg [dreg:$0x1];
	p0 =	sne.s32 s2, $0x0  }
0x1bd: {  	s3 =	rddreg [dreg:$0x2];
	[bflag:$0x3] =	sbarrier.arrive $0xFFFF;
	s2 =	simm.s32 @!p0 $0x1C02  }
0x1be: {  	[timem:s3], [sflag:s2] =	dma.local @!p0 [hbm:s0], s1  }
0x1bf: {  	s0 =	simm.s32 @!p0 $0x2  }
0x1c0: {  	_ =	swait.ge @!p0 [sflag:s0], s1  }
0x1c1: {  	s1 =	ssub.s32 @!p0 $0x0, s1;
	[sflag:s0] =	ssyncset.done @!p0 $0x0  }
0x1c2: {  	[sflag:s0] =	ssyncadd.s32 @!p0 s1  }
0x1c3: {  	[bflag:$0x3] =	sbarrier.arrive $0xFFFF  }
0x1c4: {  	_ =	shalt  }

// kernel: sparse-core-data-format-call.1.cloned.1.call-start
scs
called_computation.1_lowered:
.L_overlay_start_0:
0x0: {  	s1 =	sld [smem:$0x3FD9]  }
0x1: {  	s2 =	sld [smem:$0x3FFE];
	_ =	sdelay $0x1  }
0x2: {  	s3 =	srdreg.scid  }
0x3: {  	s0 =	sand.u32 $0x1, s3  }
0x4: {  	s17 =	sshll.u32 s0, $0xA;
	s1 =	sadd.s32 s2, s1  }
0x5: {  	s1 =	sadd.s32 s1, s17  }
0x6: {  	[smem:$0x3FC5] =	sst s1  }
0x7: {  	_ = 	snop  }
0x8: {  	(tm) =	ssettm $0x1  }
0x9: {  	s18 =	sld [smem:$0x3FFB];
	_ =	sdelay $0x3  }
0xa: {  	_ =	strace s18  }
0xb: {  	s1 =	sld [smem:$0x3FFC];
	_ =	sdelay $0x3  }
0xc: {  	_ =	strace s1  }
0xd: {  	s1 =	sld [smem:$0x3FFD];
	_ =	sdelay $0x3  }
0xe: {  	_ =	strace s1  }
0xf: {  	_ =	strace $0x8FFFFFFF  }
0x10: {  	s19 =	sld [smem:$0x3FDB];
	_ =	sdelay $0x1  }
0x11: {  	s20 =	simm.s32 $_scs_section_size  }
0x12: {  	s4 =	simm.s32 $_size__tile_overlayer_lowered;
	s5 =	simm.s32 $_tile_overlayer_lowered  }
0x13: {  	s23 =	simm.s32 $0x1BFF;
	s22 =	sshll.u32 s5, $0x1;
	s1 =	sadd.s32 s20, s19  }
0x14: {  	s6 =	simm.s32 $0x0;
	s21 =	sshll.u32 s4, $0x1;
	s4 =	sadd.s32 s22, s1  }
0x15: {  	[timem:s6], [sflag:s23] =	dma.local [hbm:s4], s21  }
0x16: {  	_ =	swait.ge [sflag:s23], s21  }
0x17: {  	s2 =	ssub.s32 $0x0, s21;
	[sflag:s23] =	ssyncset.done $0x0  }
0x18: {  	[sflag:s23] =	ssyncadd.s32 s2;
	_ =	sdelay $0x1  }
0x19: {  	s24 =	simm.s32 $0x1B8B  }
0x1a: {  	_ =	swait.ge [sflag:s24], $0x1  }
0x1b: {  	[sflag:s24] =	ssyncset.done $0x0  }
0x1c: {  	s26 =	simm.s32 $0x1B8E;
	s25 =	sld [smem:$0x3FFE];
	[sflag:s24] =	ssyncadd.s32 $0xFFFFFFFF  }
0x1d: {  	s27 =	simm.s32 $execute0_lowered;
	[smem:$0x3FD2] =	sst s26  }
0x1e: {  	s4 =	sshll.u32 s27, $0x1;
	_ =	strace $0x80000046;
	[dreg:$0x1] =	wrdreg $0xFFFFFFFF  }
0x1f: {  	s28 =	simm.s32 $_size_execute0_lowered;
	s1 =	sadd.s32 s1, s4;
	[dreg:$0x0] =	wrdreg $0x0  }
0x20: {  	s4 =	sshll.u32 s28, $0x1;
	[dreg:$0x2] =	wrdreg s1  }
0x21: {  	[dreg:$0x3] =	wrdreg s4  }
0x22: {  	[dreg:$0x4] =	wrdreg $0xC0  }
0x23: {  	_ =	task [dreg:s6], $0x5FFFF  }
0x24: {  	[dreg:$0x1] =	wrdreg $0xFFFFFFFF  }
0x25: {  	[dreg:$0x0] =	wrdreg $0x60  }
0x26: {  	[dreg:$0x2] =	wrdreg s25  }
0x27: {  	[dreg:$0x3] =	wrdreg $0x9  }
0x28: {  	_ =	task.clear_ibuf [dreg:s6], $0x4FFFF;
	_ =	strace $0x90000046  }
0x29: {  	s29 =	simm.s32 $0x9;
	_ =	strace $0x80000048  }
0x2a: {  	_ =	swait.ge [sflag:s29], $0x1  }
0x2b: {  	[sflag:s29] =	ssyncadd.s32 $0xFFFFFFFF  }
0x2c: {  	_ =	strace $0x90000048  }
0x2d: {  	_ =	sfence  }
0x2e: {  	s30 =	sld [smem:$0x0];
	_ =	sdelay $0x2  }
0x2f: {  	s31 =	sshll.u32 s3, $0xD;
	s3 =	sshrl.u32 s3, $0x2  }
0x30: {  	s2 =	sand.u32 $0x4000, s31;
	s1 =	sadd.s32 s3, s30  }
0x31: {  	s0 =	sor.u32 s2, s0;
	s1 =	sshll.u32 s1, $0x11  }
0x32: {  	s0 =	sor.u32 s1, s0  }
0x33: {  	s0 =	sadd.s32 $0x8F2B, s0  }
0x34: {  	[sflag:s0] =	ssyncadd.remote.s32 $0x1  }
0x35: {  	_ =	sfence.sel $0xFFFF  }
0x36: {  	[dreg:$0x0] =	wrdreg $0xFFFFFFFF;
	(pc) =	sbr.abs _section_cstart, $3  }
0x37: {  	[dreg:$0x1] =	wrdreg $0xFFFFFFFF  }
0x38: {  	_ =	task.clear_ibuf [dreg:s6], $0x2FFFF;
	_ =	strace $0x9FFFFFFF  }
0x39: {  	(tm) =	ssettm $0x7FFFFFFF  }
tec
execute0_lowered:
.L_overlay_start_1:
0x0: {  	(tag) =	ssettag $0x1  }
0x1: {  	s0 =	srdreg.scid  }
0x2: {  	s5 =	rddreg [dreg:$0x0];
	s1 =	stileid.u32;
	s4 =	simm.s32 $0x1  }
0x3: {  	s6 =	simm.s32 $0x2;
	s15 =	simm.s32 $0x0;
	p0 =	por $0x0, $0x0  }
0x4: {  	s8 =	simm.s32 $0x80;
	s14 =	simm.s32 $0x0;
	s2 =	sshll.u32 s0, $0x4  }
0x5: {  	s9 =	simm.s32 $0x0;
	s10 =	simm.s32 $0x0;
	s2 =	sand.u32 $0x10, s2  }
.Ltmp0:
0x6: {  	s12 =	simm.s32 $0x0;
	s3 =	sor.u32 s1, s2;
	(pc) =	sbr.rel .LBB1_1-.Ltmp0, $4  }
0x7: {  	s0 =	rddreg [dreg:$0x1];
	_ =	strace $0x80000047;
	s3 =	sshll.u32 s3, $0x7  }
0x8: {  	s13 =	simm.s32 $0x0;
	[sflag:s4] =	ssyncpa.u1 $0x0;
	s7 =	ssub.s32 $0xF4200, s3  }
0x9: {  	s2 =	sadd.s32 $0x1000, s5;
	[sflag:s6] =	ssyncpa.u1 $0x0;
	s6 =	sshrl.u32 s7, $0xC  }
0xa: {  	s5 =	sadd.s32 $0x1E9600, s5;
	s11 =	smov.u32 s3;
	s7 =	sadd.s32 $0x2, s6  }
.LBB1_5:
0xb: {  	p1 =	slt.u32 s13, $0x2  }
0xc: {  	s17 =	smov.u32 s15;
	p2 =	sgt.s32 @!p1 s15, $0xF41C0;
	s16 =	sshra.s32 @!p1 s15, $0x1F  }
0xd: {  	p3 =	sgt.s32 @!p1 s14, $0x60;
	s18 =	sshra.s32 @!p1 s14, $0x1F;
	p2 =	por !p2, p1  }
0xe: {  	s15 =	sand.u32 @!p1 s16, s15;
	p3 =	por !p3, p1;
	s16 =	smov.u32 s14  }
0xf: {  	s14 =	sand.u32 @!p1 s18, s14;
	s17 =	simm.s32 @p2 $0xF41C0;
	s16 =	simm.s32 @p3 $0x60  }
0x10: {  	s15 =	ssub.s32 @!p1 s17, s15;
	s14 =	ssub.s32 @!p1 s16, s14  }
0x11: {  	s18 =	smov.u32 s12;
	s16 =	sadd.s32 @!p1 $0xFFF0BE40, s15;
	s17 =	sadd.s32 @!p1 $0xFFFFFFA0, s14  }
0x12: {  	s15 =	ssub.s32 @!p1 $0xF4240, s15;
	p2 =	sgt.s32 @!p1 s16, $0x7F;
	p3 =	sgt.s32 @!p1 s17, $0x1F  }
0x13: {  	s14 =	ssub.s32 @!p1 $0x80, s14;
	p2 =	por !p2, p1;
	p3 =	por !p3, p1  }
0x14: {  	s16 =	sadd.s32 $0x1000, s11;
	s15 =	simm.s32 @!p2 $0x0;
	s14 =	simm.s32 @!p3 $0x0  }
0x15: {  	p2 =	sgt.s32 s16, $0xF423F;
	s14 =	smul.u32 @!p1 s14, s15;
	s15 =	sadd.s32 $0x20, s12  }
0x16: {  	s18 =	smov.u32 @p2 s15  }
0x17: {  	s16 =	smov.u32 @p2 s3;
	p2 =	sgt.s32 s18, $0x1F  }
0x18: {  	p0 =	por !p0, !p0;
	s18 =	simm.s32 @p2 $0x0;
	p2 =	sne.s32 s13, s7  }
.Ltmp1:
0x19: {  	s17 =	simm.s32 @!p1 $0x2;
	s14 =	sshrl.u32 @!p1 s14, $0x1;
	(pc) =	sbr.rel @!p2 .LBB1_6-.Ltmp1, $4  }
0x1a: {  	s15 =	smov.u32 s9;
	s9 =	smov.u32 s11;
	s14 =	sand.u32 @!p1 $0x3FFFFFFF, s14  }
0x1b: {  	s11 =	smov.u32 s16;
	s13 =	sadd.s32 $0x1, s13;
	_ =	swait.ge @!p1 [sflag:s17], s14  }
0x1c: {  	s19 =	ssub.s32 @!p1 $0x0, s14;
	s14 =	smov.u32 s10;
	[sflag:s17] =	ssyncset.done @!p1 $0x0  }
0x1d: {  	s10 =	smov.u32 s12;
	s12 =	smov.u32 s18;
	[sflag:s17] =	ssyncadd.s32 @!p1 s19  }
.LBB1_1:
0x1e: {  	p1 =	sgt.u32 s13, s6  }
0x1f: {  	s16 =	sshrl.u32 @!p1 s12, $0x3  }
0x20: {  	s17 =	sshll.u32 @!p1 s11, $0x3;
	s16 =	smul.u32 @!p1 $0x7A1400, s16  }
0x21: {  	s18 =	sshll.u32 @!p1 s12, $0x7;
	s17 =	sand.u32 @!p1 $0xFFFFFC00, s17  }
0x22: {  	s16 =	sadd.s32 @!p1 s16, s17;
	s17 =	sand.u32 @!p1 $0x300, s18;
	s18 =	sshll.u32 @!p1 s11, $0x1  }
0x23: {  	s16 =	sor.u32 @!p1 s17, s16;
	s17 =	sand.u32 @!p1 $0xFE, s18  }
0x24: {  	s18 =	sand.u32 @!p1 $0x1, s12;
	s16 =	sor.u32 @!p1 s17, s16  }
0x25: {  	s17 =	sor.u32 @!p1 s18, s16  }
0x26: {  	s18 =	smulhi.u32 @!p1 $0x218D6287, s17;
	_ =	sdelay $0x1  }
0x27: {  	s16 =	smulhi.u32 @!p1 $0x218D6287, s16;
	s18 =	sshrl.u32 @!p1 s18, $0x11  }
0x28: {  	s18 =	smul.u32 @!p1 $0xF4280, s18  }
0x29: {  	s16 =	sshrl.u32 @!p1 s16, $0x11  }
0x2a: {  	s16 =	sand.u32 @!p1 $0x1F, s16;
	s17 =	ssub.s32 @!p1 s17, s18  }
0x2b: {  	s16 =	smul.u32 @!p1 $0xF428, s16;
	s18 =	sshrl.u32 @!p1 s17, $0x4  }
0x2c: {  	s19 =	sxor.u32 @!p1 $0xFFFFFFFF, s13;
	s17 =	sshll.u32 @!p1 s17, $0x11;
	s18 =	sadd.s32 @!p1 s2, s18  }
0x2d: {  	s17 =	sand.u32 @!p1 $0x1C0000, s17;
	s16 =	sadd.s32 @!p1 s16, s18;
	s18 =	sshll.u32 @!p1 s19, $0xB  }
0x2e: {  	s17 =	sor.u32 @!p1 $0x200, s17;
	s19 =	simm.s32 @!p1 $0x3D0A00;
	s18 =	sand.u32 @!p1 $0x800, s18  }
0x2f: {  	[tilespmem:s18], [sflag:$0x1] =	stream.strided.gather @!p1 [hbm4b:s16+s17], $0x800, s19, s17, $0x38;
	[tilespmem:$0x2080] =	vst v63  }
0x30: {  	p1 =	seq.s32 s13, $0x0  }
0x31: {  	p2 =	sge.u32 @!p1 s13, s7  }
0x32: {  	p1 =	por p1, p2  }
.Ltmp2:
0x33: {  	_ = 	snop;
	(pc) =	sbr.rel @p1 .LBB1_5-.Ltmp2, $1  }
0x34: {  	_ =	sdelay $0x3  }
0x35: {  	s16 =	simm.s32 $0x1  }
0x36: {  	_ =	swait.ge [sflag:s4], $0x800;
	s16 =	simm.s32 @!p0 $0x0  }
0x37: {  	[sflag:s4] =	ssyncset.done $0x0;
	s16 =	sshll.u32 s16, $0xB  }
0x38: {  	[sflag:s4] =	ssyncadd.s32 $0xFFFFF800;
	s16 =	sor.u32 $0x40, s16  }
0x39: {  	v0 =	vld [tilespmem:s16+$0x20]  }
0x3a: {  	v1 =	vld [tilespmem:s16+$0x30]  }
0x3b: {  	v2 =	vld [tilespmem:s16+$0xFFFFFFD0]  }
0x3c: {  	v5 =	vld [tilespmem:s16+$0x0]  }
0x3d: {  	v6 =	vld [tilespmem:s16+$0x10]  }
0x3e: {  	s17 =	sand.u32 $0x1, s13;
	v3 =	vld [tilespmem:s16+$0xFFFFFFE0]  }
0x3f: {  	s17 =	smul.u32 $0x2100, s17;
	v4 =	vld [tilespmem:s16+$0xFFFFFFF0]  }
0x40: {  	s18 =	simm.s32 $0x0;
	v1 =	vperm.xlane.i2c.b16 v1  }
0x41: {  	s19 =	sand.u32 $0x1C, s18;
	s17 =	sshrl.u32 s17, $0x2;
	v8 =	vld [tilespmem:s16+$0xFFFFFFC0];
	s20 =	sadd.s32 $0x80, s16;
	v7 =	vperm.xlane.i2c.b16 v0;
	v0 =	vperm.xlane.i2c.b16 v2  }
0x42: {  	s30 =	sand.u32 $0x20, s18;
	s31 =	sshrl.u32 s19, $0x1;
	s16 =	sor.u32 $0x1000, s17;
	v11 =	vld [tilespmem:s20+$0x30];
	v10 =	vperm.xlane.i2c.b16 v5;
	v13 =	vperm.xlane.i2c.b16 v6  }
0x43: {  	s17 =	sshrl.u32 s30, $0x1;
	s18 =	sadd.s32 s31, s16;
	v2 =	vld [tilespmem:s20+$0x20];
	v3 =	vperm.xlane.i2c.b16 v3;
	v9 =	vcombine.low v7, v1  }
0x44: {  	v12 =	vld [tilespmem:s20+$0xFFFFFFD0];
	s17 =	sadd.s32 s17, s18;
	v4 =	vperm.xlane.i2c.b16 v4;
	v14 =	vcombine.low v10, v13  }
0x45: {  	v1 =	vcombine.high v7, v1;
	v7 =	vld [tilespmem:s20+$0xFFFFFFE0];
	[tilespmem:s17+$0x630 ss:$0x21] =	vst.msk $0xffff, v9  }
0x46: {  	v6 =	vld [tilespmem:s20+$0xFFFFFFF0];
	v5 =	vperm.xlane.i2c.b16 v8;
	v9 =	vcombine.low v3, v4;
	[tilespmem:s17+$0x420 ss:$0x21] =	vst.msk $0xffff, v14  }
0x47: {  	s18 =	simm.s32 $0x4;
	v8 =	vperm.xlane.i2c.b16 v11;
	[tilespmem:s17+$0x631 ss:$0x21] =	vst.msk $0xffff, v1;
	v1 =	vcombine.high v3, v4;
	v4 =	vld [tilespmem:s20+$0x0]  }
0x48: {  	s19 =	simm.s32 $0x2;
	s22 =	sand.u32 $0x1C, s18;
	v10 =	vcombine.high v10, v13;
	v3 =	vld [tilespmem:s20+$0x10];
	[tilespmem:s17+$0x210 ss:$0x21] =	vst.msk $0xffff, v9;
	v9 =	vperm.xlane.i2c.b16 v2  }
0x49: {  	s21 =	sand.u32 $0x20, s18;
	s22 =	sshrl.u32 s22, $0x1;
	v11 =	vcombine.low v5, v0;
	v2 =	vld [tilespmem:s20+$0xFFFFFFC0];
	s20 =	sadd.s32 $0x80, s20;
	[tilespmem:s17+$0x211 ss:$0x21] =	vst.msk $0xffff, v1;
	v1 =	vperm.xlane.i2c.b16 v12  }
.LBB1_3:
0x4a: {  	v12 =	vld [tilespmem:s20+$0x20];
	s22 =	sadd.s32 s22, s16;
	s21 =	sshrl.u32 s21, $0x1;
	v13 =	vperm.xlane.i2c.b16 v7;
	v7 =	vcombine.low v9, v8;
	[tilespmem:s17+$0x421 ss:$0x21] =	vst.msk $0xffff, v10  }
0x4b: {  	s19 =	sadd.s32 $0x2, s19;
	v14 =	vld [tilespmem:s20+$0x30];
	s21 =	sadd.s32 s21, s22;
	v10 =	vperm.xlane.i2c.b16 v6;
	v6 =	vcombine.high v9, v8;
	[tilespmem:s17+$0x0 ss:$0x21] =	vst.msk $0xffff, v11  }
0x4c: {  	p1 =	slt.u32 s19, $0x1E;
	v11 =	vld [tilespmem:s20+$0xFFFFFFD0];
	v8 =	vperm.xlane.i2c.b16 v4;
	[tilespmem:s21+$0x630 ss:$0x21] =	vst.msk $0xffff, v7;
	v4 =	vcombine.high v5, v0;
	v0 =	vmov v1  }
.Ltmp3:
0x4d: {  	v7 =	vld [tilespmem:s20+$0xFFFFFFE0];
	v1 =	vcombine.low v13, v10;
	v3 =	vperm.xlane.i2c.b16 v3;
	[tilespmem:s21+$0x631 ss:$0x21] =	vst.msk $0xffff, v6;
	(pc) =	sbr.rel @p1 .LBB1_3-.Ltmp3, $4  }
0x4e: {  	v6 =	vld [tilespmem:s20+$0xFFFFFFF0];
	v5 =	vperm.xlane.i2c.b16 v2;
	v2 =	vcombine.high v13, v10;
	[tilespmem:s17+$0x1 ss:$0x21] =	vst.msk $0xffff, v4;
	s17 =	smov.u32 s21  }
0x4f: {  	s18 =	sadd.s32 $0x4, s18;
	v4 =	vld [tilespmem:s20+$0x0];
	[tilespmem:s17+$0x210 ss:$0x21] =	vst.msk $0xffff, v1;
	v13 =	vcombine.low v8, v3;
	v10 =	vcombine.high v8, v3  }
0x50: {  	s22 =	sand.u32 $0x1C, s18;
	v9 =	vperm.xlane.i2c.b16 v12;
	v3 =	vld [tilespmem:s20+$0x10];
	v8 =	vperm.xlane.i2c.b16 v14;
	[tilespmem:s17+$0x211 ss:$0x21] =	vst.msk $0xffff, v2  }
0x51: {  	s22 =	sshrl.u32 s22, $0x1;
	s21 =	sand.u32 $0x20, s18;
	v2 =	vld [tilespmem:s20+$0xFFFFFFC0];
	v1 =	vperm.xlane.i2c.b16 v11;
	s20 =	sadd.s32 $0x80, s20;
	v11 =	vcombine.low v5, v0;
	[tilespmem:s17+$0x420 ss:$0x21] =	vst.msk $0xffff, v13  }
0x52: {  	s18 =	sadd.s32 s22, s16;
	s19 =	sshll.u32 s9, $0x7;
	s20 =	sshll.u32 s10, $0x3  }
0x53: {  	s21 =	sshrl.u32 s21, $0x1;
	s24 =	sshll.u32 s10, $0x1;
	p1 =	sgt.s32 s9, $0xF41C0  }
0x54: {  	s22 =	smov.u32 s9;
	s26 =	sshra.s32 s9, $0x1F;
	s23 =	sand.u32 $0xFFFFFC00, s19  }
0x55: {  	s20 =	sand.u32 $0xFFFFFC00, s20;
	s19 =	sand.u32 $0x300, s19;
	s25 =	sand.u32 $0x80, s24  }
0x56: {  	s18 =	sadd.s32 s21, s18;
	s22 =	simm.s32 @!p1 $0xF41C0;
	p1 =	sgt.s32 s10, $0x60  }
0x57: {  	s21 =	smov.u32 s10;
	s20 =	sadd.s32 s20, s23;
	s23 =	sshra.s32 s10, $0x1F  }
0x58: {  	s21 =	simm.s32 @!p1 $0x60;
	s19 =	sor.u32 s19, s20;
	s20 =	sand.u32 s26, s9  }
0x59: {  	v7 =	vperm.xlane.i2c.b16 v7;
	[tilespmem:s17+$0x421 ss:$0x21] =	vst.msk $0xffff, v10;
	v0 =	vcombine.high v5, v0;
	s23 =	sand.u32 s23, s10;
	s19 =	sor.u32 s25, s19;
	s20 =	ssub.s32 s22, s20  }
0x5a: {  	v57 =	vcombine.low v9, v8;
	v6 =	vperm.xlane.i2c.b16 v6;
	[tilespmem:s17+$0x0 ss:$0x21] =	vst.msk $0xffff, v11;
	s21 =	ssub.s32 s21, s23;
	s19 =	sshrl.u32 s19, $0x7;
	s22 =	sadd.s32 $0xFFF0BE40, s20  }
0x5b: {  	v58 =	vcombine.high v9, v8;
	v4 =	vperm.xlane.i2c.b16 v4;
	[tilespmem:s17+$0x1 ss:$0x21] =	vst.msk $0xffff, v0;
	s23 =	sadd.s32 $0xFFFFFFA0, s21;
	s20 =	ssub.s32 $0xF4240, s20;
	s21 =	ssub.s32 $0x80, s21  }
0x5c: {  	[tilespmem:s18+$0x630 ss:$0x21] =	vst.msk $0xffff, v57;
	v59 =	vcombine.low v7, v6;
	v3 =	vperm.xlane.i2c.b16 v3;
	s27 =	smulhi.u32 $0x218DEF5, s19;
	p1 =	sgt.s32 s22, $0x7F;
	p2 =	sgt.s32 s23, $0x1F  }
0x5d: {  	[tilespmem:s18+$0x631 ss:$0x21] =	vst.msk $0xffff, v58;
	v60 =	vcombine.high v7, v6;
	s20 =	simm.s32 @p1 $0x0;
	s21 =	simm.s32 @p2 $0x0  }
0x5e: {  	v2 =	vperm.xlane.i2c.b16 v2;
	[tilespmem:s18+$0x210 ss:$0x21] =	vst.msk $0xffff, v59;
	v61 =	vcombine.low v4, v3;
	s17 =	sshrl.u32 s27, $0xD;
	s20 =	smul.u32 s21, s20  }
0x5f: {  	v3 =	vcombine.high v4, v3;
	[tilespmem:s18+$0x211 ss:$0x21] =	vst.msk $0xffff, v60;
	s17 =	smul.u32 $0xF4240, s17  }
.Ltmp4:
0x60: {  	s28 =	sshrl.u32 s10, $0x3;
	s29 =	sand.u32 $0x7, s10;
	v62 =	vcombine.low v2, v1;
	[tilespmem:s18+$0x420 ss:$0x21] =	vst.msk $0xffff, v61;
	(pc) =	sbr.rel .LBB1_5-.Ltmp4, $4  }
0x61: {  	v63 =	vcombine.high v2, v1;
	[tilespmem:s18+$0x421 ss:$0x21] =	vst.msk $0xffff, v3;
	s21 =	sshll.u32 s29, $0x12;
	s17 =	ssub.s32 s19, s17;
	s19 =	sand.u32 $0x7, s28  }
0x62: {  	[tilespmem:s18+$0x0 ss:$0x21] =	vst.msk $0xffff, v62;
	s20 =	sshrl.u32 s20, $0x1;
	s17 =	sshll.u32 s17, $0x3;
	s19 =	sadd.s32 s5, s19  }
0x63: {  	[tilespmem:s18+$0x1 ss:$0x21] =	vst.msk $0xffff, v63;
	s31 =	sor.u32 $0x20, s21;
	s30 =	sand.u32 $0x3FFFFFFF, s20;
	s17 =	sadd.s32 s17, s19  }
0x64: {  	[hbm4b:s17+s31] =	stream.strided.scatter [tilespmem:s16], [sflag:$0x2], s30, s8, s31, $0x10;
	[tilespmem:$0x2080] =	vst v63  }
.LBB1_6:
0x65: {  	_ =	sfence.sel $0x180000  }
0x66: {  	s2 =	simm.s32 $0x1;
	[bflag:$0x0] =	sbarrier.arrive $0xFFFF  }
0x67: {  	s31 =	simm.s32 $0x2;
	[sflag:s2] =	ssyncpa.u1 $0x1  }
0x68: {  	[sflag:s31] =	ssyncpa.u1 $0x1  }
0x69: {  	p0 =	sne.s32 s1, $0x0;
	_ =	strace $0x90000047  }
0x6a: {  	s0 =	sadd.s32 @!p0 $0x100000, s0;
	[bflag:$0x2] =	sbarrier.arrive $0xFFFF  }
0x6b: {  	[sflag:s0] =	ssyncadd.tile.s32 @!p0 $0x1;
	_ =	shalt  }
.Lfunc_end1:
_tile_overlayer_lowered:
.L_overlay_start_2:
0x6c: {  	(tag) =	ssettag $0x2  }
0x6d: {  	s0 =	rddreg [dreg:$0x0];
	s2 =	stileid.u32  }
0x6e: {  	s1 =	rddreg [dreg:$0x1];
	p0 =	sne.s32 s2, $0x0  }
0x6f: {  	s3 =	rddreg [dreg:$0x2];
	[bflag:$0x3] =	sbarrier.arrive $0xFFFF;
	s2 =	simm.s32 @!p0 $0x1C01  }
0x70: {  	[timem:s3], [sflag:s2] =	dma.local @!p0 [hbm:s0], s1  }
0x71: {  	s0 =	simm.s32 @!p0 $0x1  }
0x72: {  	_ =	swait.ge @!p0 [sflag:s0], s1  }
0x73: {  	s1 =	ssub.s32 @!p0 $0x0, s1;
	[sflag:s0] =	ssyncset.done @!p0 $0x0  }
0x74: {  	[sflag:s0] =	ssyncadd.s32 @!p0 s1  }
0x75: {  	[bflag:$0x3] =	sbarrier.arrive $0xFFFF  }
0x76: {  	_ =	shalt  }

// kernel: sparse-core-data-format-call.cloned.1.call-start
scs
called_computation_lowered:
.L_overlay_start_0:
0x0: {  	s1 =	sld [smem:$0x3FD9]  }
0x1: {  	s2 =	sld [smem:$0x3FFE];
	_ =	sdelay $0x1  }
0x2: {  	s3 =	srdreg.scid  }
0x3: {  	s0 =	sand.u32 $0x1, s3  }
0x4: {  	s17 =	sshll.u32 s0, $0xA;
	s1 =	sadd.s32 s2, s1  }
0x5: {  	s1 =	sadd.s32 s1, s17  }
0x6: {  	[smem:$0x3FC5] =	sst s1  }
0x7: {  	_ = 	snop  }
0x8: {  	(tm) =	ssettm $0x1  }
0x9: {  	s18 =	sld [smem:$0x3FFB];
	_ =	sdelay $0x3  }
0xa: {  	_ =	strace s18  }
0xb: {  	s1 =	sld [smem:$0x3FFC];
	_ =	sdelay $0x3  }
0xc: {  	_ =	strace s1  }
0xd: {  	s1 =	sld [smem:$0x3FFD];
	_ =	sdelay $0x3  }
0xe: {  	_ =	strace s1  }
0xf: {  	_ =	strace $0x8FFFFFFF  }
0x10: {  	s19 =	sld [smem:$0x3FDB];
	_ =	sdelay $0x1  }
0x11: {  	s20 =	simm.s32 $_scs_section_size  }
0x12: {  	s4 =	simm.s32 $_size__tile_overlayer_lowered;
	s5 =	simm.s32 $_tile_overlayer_lowered  }
0x13: {  	s23 =	simm.s32 $0x1BFF;
	s22 =	sshll.u32 s5, $0x1;
	s1 =	sadd.s32 s20, s19  }
0x14: {  	s6 =	simm.s32 $0x0;
	s21 =	sshll.u32 s4, $0x1;
	s4 =	sadd.s32 s22, s1  }
0x15: {  	[timem:s6], [sflag:s23] =	dma.local [hbm:s4], s21  }
0x16: {  	_ =	swait.ge [sflag:s23], s21  }
0x17: {  	s2 =	ssub.s32 $0x0, s21;
	[sflag:s23] =	ssyncset.done $0x0  }
0x18: {  	[sflag:s23] =	ssyncadd.s32 s2;
	_ =	sdelay $0x1  }
0x19: {  	s24 =	simm.s32 $0x1B8B  }
0x1a: {  	_ =	swait.ge [sflag:s24], $0x1  }
0x1b: {  	[sflag:s24] =	ssyncset.done $0x0  }
0x1c: {  	s26 =	simm.s32 $0x1B8E;
	s25 =	sld [smem:$0x3FFE];
	[sflag:s24] =	ssyncadd.s32 $0xFFFFFFFF  }
0x1d: {  	s27 =	simm.s32 $execute0_lowered;
	[smem:$0x3FD2] =	sst s26  }
0x1e: {  	s4 =	sshll.u32 s27, $0x1;
	_ =	strace $0x80000049;
	[dreg:$0x1] =	wrdreg $0xFFFFFFFF  }
0x1f: {  	s28 =	simm.s32 $_size_execute0_lowered;
	s1 =	sadd.s32 s1, s4;
	[dreg:$0x0] =	wrdreg $0x0  }
0x20: {  	s4 =	sshll.u32 s28, $0x1;
	[dreg:$0x2] =	wrdreg s1  }
0x21: {  	[dreg:$0x3] =	wrdreg s4  }
0x22: {  	[dreg:$0x4] =	wrdreg $0xC0  }
0x23: {  	_ =	task [dreg:s6], $0x5FFFF  }
0x24: {  	[dreg:$0x1] =	wrdreg $0xFFFFFFFF  }
0x25: {  	[dreg:$0x0] =	wrdreg $0x60  }
0x26: {  	[dreg:$0x2] =	wrdreg s25  }
0x27: {  	[dreg:$0x3] =	wrdreg $0x9  }
0x28: {  	_ =	task.clear_ibuf [dreg:s6], $0x4FFFF;
	_ =	strace $0x90000049  }
0x29: {  	s29 =	simm.s32 $0x9;
	_ =	strace $0x8000004B  }
0x2a: {  	_ =	swait.ge [sflag:s29], $0x1  }
0x2b: {  	[sflag:s29] =	ssyncadd.s32 $0xFFFFFFFF  }
0x2c: {  	_ =	strace $0x9000004B  }
0x2d: {  	_ =	sfence  }
0x2e: {  	s30 =	sld [smem:$0x0];
	_ =	sdelay $0x2  }
0x2f: {  	s31 =	sshll.u32 s3, $0xD;
	s3 =	sshrl.u32 s3, $0x2  }
0x30: {  	s2 =	sand.u32 $0x4000, s31;
	s1 =	sadd.s32 s3, s30  }
0x31: {  	s0 =	sor.u32 s2, s0;
	s1 =	sshll.u32 s1, $0x11  }
0x32: {  	s0 =	sor.u32 s1, s0  }
0x33: {  	s0 =	sadd.s32 $0x8F2B, s0  }
0x34: {  	[sflag:s0] =	ssyncadd.remote.s32 $0x1  }
0x35: {  	_ =	sfence.sel $0xFFFF  }
0x36: {  	[dreg:$0x0] =	wrdreg $0xFFFFFFFF;
	(pc) =	sbr.abs _section_cstart, $3  }
0x37: {  	[dreg:$0x1] =	wrdreg $0xFFFFFFFF  }
0x38: {  	_ =	task.clear_ibuf [dreg:s6], $0x2FFFF;
	_ =	strace $0x9FFFFFFF  }
0x39: {  	(tm) =	ssettm $0x7FFFFFFF  }
tec
execute0_lowered:
.L_overlay_start_1:
0x0: {  	(tag) =	ssettag $0x1  }
0x1: {  	s0 =	srdreg.scid  }
0x2: {  	s5 =	rddreg [dreg:$0x0];
	s1 =	stileid.u32;
	s4 =	simm.s32 $0x1  }
0x3: {  	s6 =	simm.s32 $0x2;
	s8 =	simm.s32 $0x0;
	s2 =	sshll.u32 s0, $0x4  }
0x4: {  	s9 =	simm.s32 $0x0;
	s13 =	simm.s32 $0x0;
	s2 =	sand.u32 $0x10, s2  }
.Ltmp0:
0x5: {  	s10 =	simm.s32 $0x0;
	s3 =	sor.u32 s1, s2;
	(pc) =	sbr.rel .LBB1_1-.Ltmp0, $4  }
0x6: {  	s0 =	rddreg [dreg:$0x1];
	_ =	strace $0x8000004A;
	s3 =	sshll.u32 s3, $0x4  }
0x7: {  	s12 =	simm.s32 $0x0;
	[sflag:s4] =	ssyncpa.u1 $0x0;
	s7 =	ssub.s32 $0x3D00, s3  }
0x8: {  	s2 =	sadd.s32 $0x1E9600, s5;
	[sflag:s6] =	ssyncpa.u1 $0x0;
	s6 =	sshrl.u32 s7, $0x9  }
0x9: {  	s5 =	sadd.s32 $0x1000, s5;
	s11 =	smov.u32 s3;
	s7 =	sadd.s32 $0x2, s6  }
.LBB1_7:
0xa: {  	s15 =	sshll.u32 s12, $0xF  }
0xb: {  	s15 =	sand.u32 $0x8000, s15  }
0xc: {  	s16 =	sshll.u32 s10, $0x7;
	s15 =	sshrl.u32 s15, $0x1  }
0xd: {  	s16 =	sadd.s32 s5, s16;
	s15 =	sor.u32 $0x8000, s15  }
0xe: {  	[hbm4b:s16+s8] =	stream.linear.scatter [tilespmem:s15], [sflag:$0x2], s14, $0x38;
	[tilespmem:$0x10000] =	vst v63  }
.LBB1_8:
0xf: {  	p0 =	slt.u32 s12, $0x2  }
0x10: {  	p1 =	sgt.s32 @!p0 s13, $0x3CF9  }
0x11: {  	s14 =	smov.u32 s13;
	s15 =	sshra.s32 @!p0 s13, $0x1F;
	p1 =	por !p1, p0  }
0x12: {  	s13 =	sand.u32 @!p0 s15, s13;
	s14 =	simm.s32 @p1 $0x3CF9  }
0x13: {  	s13 =	ssub.s32 @!p0 s14, s13  }
0x14: {  	s13 =	sadd.s32 @!p0 $0xFFFFC307, s13  }
0x15: {  	s14 =	sshll.u32 @!p0 s13, $0xC  }
0x16: {  	p1 =	sgt.s32 @!p0 s13, $0xF;
	s13 =	ssub.s32 @!p0 $0x10000, s14  }
0x17: {  	s15 =	sadd.s32 $0x200, s11;
	p1 =	por !p1, p0;
	s13 =	sshrl.u32 @!p0 s13, $0x2  }
0x18: {  	s13 =	simm.s32 @!p1 $0x0;
	p1 =	sgt.s32 s15, $0x3D08  }
0x19: {  	s15 =	smov.u32 @p1 s3;
	p1 =	sne.s32 s12, s7  }
.Ltmp1:
0x1a: {  	_ = 	snop;
	(pc) =	sbr.rel @!p1 .LBB1_9-.Ltmp1, $4  }
0x1b: {  	s14 =	simm.s32 @!p0 $0x2  }
0x1c: {  	s9 =	sadd.s32 $0x8000, s9;
	_ =	swait.ge @!p0 [sflag:s14], s13;
	s16 =	ssub.s32 @!p0 $0x0, s13  }
0x1d: {  	s13 =	smov.u32 s10;
	s12 =	sadd.s32 $0x1, s12;
	[sflag:s14] =	ssyncset.done @!p0 $0x0  }
0x1e: {  	s10 =	smov.u32 s11;
	s11 =	smov.u32 s15;
	[sflag:s14] =	ssyncadd.s32 @!p0 s16  }
.LBB1_1:
0x1f: {  	p0 =	sgt.u32 s12, s6  }
0x20: {  	p1 =	sgt.s32 @!p0 s11, $0x3CF9  }
0x21: {  	s14 =	smov.u32 s11;
	s15 =	sshra.s32 @!p0 s11, $0x1F;
	p1 =	por !p1, p0  }
0x22: {  	s15 =	sand.u32 @!p0 s15, s11;
	s14 =	simm.s32 @p1 $0x3CF9  }
0x23: {  	s14 =	ssub.s32 @!p0 s14, s15  }
0x24: {  	s14 =	sadd.s32 @!p0 $0xFFFFC307, s14  }
0x25: {  	s16 =	sshll.u32 @!p0 s11, $0x7;
	s17 =	simm.s32 @!p0 $0x0;
	s15 =	sshll.u32 @!p0 s14, $0xC  }
0x26: {  	p1 =	sgt.s32 @!p0 s14, $0xF;
	s14 =	ssub.s32 @!p0 $0x10000, s15;
	s15 =	sxor.u32 @!p0 $0xFFFFFFFF, s12  }
0x27: {  	p1 =	por !p1, p0;
	s14 =	sshrl.u32 @!p0 s14, $0x2;
	s15 =	sshll.u32 @!p0 s15, $0xE  }
0x28: {  	s16 =	sadd.s32 @!p0 s2, s16;
	s14 =	simm.s32 @!p1 $0x0;
	s15 =	sand.u32 @!p0 $0x4000, s15  }
0x29: {  	[tilespmem:s15], [sflag:$0x1] =	stream.linear.gather @!p0 [hbm4b:s16+s17], s14, $0x38;
	[tilespmem:$0x10000] =	vst v63  }
0x2a: {  	p0 =	seq.s32 s12, $0x0  }
0x2b: {  	p1 =	sge.u32 @!p0 s12, s7  }
0x2c: {  	p0 =	por p0, p1  }
.Ltmp2:
0x2d: {  	_ = 	snop;
	(pc) =	sbr.rel @p0 .LBB1_8-.Ltmp2, $1  }
0x2e: {  	_ =	sdelay $0x3  }
0x2f: {  	p0 =	sgt.s32 s10, $0x3CF9;
	s14 =	smov.u32 s10;
	s15 =	sshra.s32 s10, $0x1F  }
0x30: {  	s14 =	simm.s32 @!p0 $0x3CF9;
	s15 =	sand.u32 s15, s10  }
0x31: {  	s14 =	ssub.s32 s14, s15  }
0x32: {  	s16 =	sadd.s32 $0x10, s10;
	s14 =	sadd.s32 $0xFFFFC307, s14  }
0x33: {  	p1 =	slt.s32 s16, $0x3D09;
	s30 =	sshll.u32 s14, $0xC  }
0x34: {  	s16 =	simm.s32 @!p1 $0x3D09;
	s15 =	ssub.s32 $0x10000, s30  }
0x35: {  	p0 =	sgt.s32 s14, $0xF;
	s14 =	sshrl.u32 s15, $0x2;
	s15 =	ssub.s32 s16, s10  }
0x36: {  	s14 =	simm.s32 @p0 $0x0;
	p0 =	slt.s32 s15, $0x1  }
.Ltmp3:
0x37: {  	_ = 	snop;
	(pc) =	sbr.rel @p0 .LBB1_7-.Ltmp3, $4  }
0x38: {  	_ = 	snop  }
0x39: {  	_ =	swait.ge [sflag:s4], s14  }
0x3a: {  	s31 =	ssub.s32 $0x0, s14;
	[sflag:s4] =	ssyncset.done $0x0  }
0x3b: {  	[sflag:s4] =	ssyncadd.s32 s31  }
0x3c: {  	s16 =	sshrl.u32 s9, $0x1  }
0x3d: {  	s17 =	sand.u32 $0x4000, s16  }
0x3e: {  	s18 =	simm.s32 $0x0;
	s16 =	sor.u32 $0x200, s17;
	s17 =	sor.u32 $0x8080, s17  }
.LBB1_4:
0x3f: {  	v0 =	vld [tilespmem:s16+$0xFFFFFE70]  }
0x40: {  	v1 =	vld [tilespmem:s16+$0x70]  }
0x41: {  	v2 =	vld [tilespmem:s16+$0x0]  }
0x42: {  	v3 =	vld [tilespmem:s16+$0xFFFFFE10]  }
0x43: {  	v4 =	vld [tilespmem:s16+$0x10]  }
0x44: {  	v5 =	vld [tilespmem:s16+$0xFFFFFE20]  }
0x45: {  	v7 =	vld [tilespmem:s16+$0x20]  }
0x46: {  	v11 =	vld [tilespmem:s16+$0x30];
	v6 =	vunpack.i.l.s16.s32 v0;
	v8 =	vunpack.i.u.s16.s32 v0;
	v9 =	vunpack.i.u.s16.s32 v1  }
0x47: {  	v10 =	vunpack.i.l.s16.s32 v1;
	v0 =	vunpack.i.u.s16.s32 v2;
	v1 =	vunpack.i.l.s16.s32 v2;
	v2 =	vld [tilespmem:s16+$0xFFFFFE30]  }
0x48: {  	v8 =	vpack.i.b32.b16 v9, v8;
	v9 =	vunpack.i.u.s16.s32 v3;
	v3 =	vunpack.i.l.s16.s32 v3  }
0x49: {  	v12 =	vld [tilespmem:s16+$0xFFFFFE40];
	v6 =	vpack.i.b32.b16 v10, v6;
	[tilespmem:s17+$0x70] =	vst v8;
	v8 =	vunpack.i.u.s16.s32 v4;
	v4 =	vunpack.i.l.s16.s32 v4  }
0x4a: {  	v13 =	vld [tilespmem:s16+$0x40];
	v10 =	vunpack.i.u.s16.s32 v5;
	v5 =	vunpack.i.l.s16.s32 v5;
	[tilespmem:s17+$0xFFFFFFF0] =	vst v6;
	v3 =	vpack.i.b32.b16 v4, v3  }
0x4b: {  	v6 =	vunpack.i.l.s16.s32 v7;
	v4 =	vld [tilespmem:s16+$0xFFFFFE50];
	[tilespmem:s17+$0xFFFFFF90] =	vst v3;
	v3 =	vpack.i.b32.b16 v8, v9;
	v8 =	vunpack.i.u.s16.s32 v7  }
0x4c: {  	v7 =	vunpack.i.l.s16.s32 v11;
	[tilespmem:s17+$0x10] =	vst v3;
	v3 =	vpack.i.b32.b16 v6, v5;
	v9 =	vunpack.i.u.s16.s32 v2;
	v6 =	vld [tilespmem:s16+$0x50]  }
0x4d: {  	v5 =	vunpack.i.l.s16.s32 v2;
	v2 =	vld [tilespmem:s16+$0xFFFFFE60];
	[tilespmem:s17+$0xFFFFFFA0] =	vst v3;
	v3 =	vpack.i.b32.b16 v8, v10;
	v10 =	vunpack.i.u.s16.s32 v11  }
0x4e: {  	s21 =	simm.s32 $0x0;
	v11 =	vpack.i.b32.b16 v7, v5;
	v7 =	vunpack.i.u.s16.s32 v12;
	v8 =	vunpack.i.l.s16.s32 v12;
	[tilespmem:s17+$0x20] =	vst v3;
	v3 =	vld [tilespmem:s16+$0x60]  }
0x4f: {  	s22 =	sadd.s32 $0x80, s16;
	s20 =	smov.u32 s17;
	s19 =	smov.u32 s17;
	v5 =	vld [tilespmem:s16+$0xFFFFFE00];
	[tilespmem:s17+$0xFFFFFFB0] =	vst v11;
	v10 =	vpack.i.b32.b16 v10, v9;
	v9 =	vunpack.i.u.s16.s32 v13;
	v11 =	vunpack.i.l.s16.s32 v13  }
.LBB1_5:
0x50: {  	v12 =	vld [tilespmem:s22+$0xFFFFFE70];
	[tilespmem:s20+$0x30] =	vst v10;
	v8 =	vpack.i.b32.b16 v11, v8;
	v10 =	vunpack.i.u.s16.s32 v4;
	v4 =	vunpack.i.l.s16.s32 v4  }
0x51: {  	s21 =	sadd.s32 $0x2, s21;
	v7 =	vpack.i.b32.b16 v9, v7;
	v11 =	vld [tilespmem:s22+$0x70];
	[tilespmem:s20+$0xFFFFFFC0] =	vst v8;
	v8 =	vunpack.i.u.s16.s32 v6;
	v6 =	vunpack.i.l.s16.s32 v6  }
0x52: {  	p0 =	slt.u32 s21, $0x6;
	v9 =	vld [tilespmem:s22+$0x0];
	[tilespmem:s20+$0x40] =	vst v7;
	v4 =	vpack.i.b32.b16 v6, v4;
	v6 =	vunpack.i.u.s16.s32 v2;
	v2 =	vunpack.i.l.s16.s32 v2  }
0x53: {  	v7 =	vld [tilespmem:s22+$0xFFFFFE10];
	[tilespmem:s20+$0xFFFFFFD0] =	vst v4;
	v4 =	vpack.i.b32.b16 v8, v10;
	v8 =	vunpack.i.u.s16.s32 v3;
	v3 =	vunpack.i.l.s16.s32 v3  }
0x54: {  	v10 =	vld [tilespmem:s22+$0x10];
	v13 =	vunpack.i.u.s16.s32 v5;
	v5 =	vunpack.i.l.s16.s32 v5;
	[tilespmem:s20+$0x50] =	vst v4;
	v2 =	vpack.i.b32.b16 v3, v2  }
0x55: {  	v3 =	vld [tilespmem:s22+$0xFFFFFE20];
	v4 =	vunpack.i.l.s16.s32 v12;
	v1 =	vpack.i.b32.b16 v1, v5;
	v5 =	vpack.i.b32.b16 v0, v13;
	[tilespmem:s20+$0xFFFFFFE0] =	vst v2  }
0x56: {  	v12 =	vunpack.i.u.s16.s32 v12;
	v2 =	vld [tilespmem:s22+$0x20];
	v13 =	vunpack.i.u.s16.s32 v11;
	v11 =	vunpack.i.l.s16.s32 v11;
	[tilespmem:s20+$0xFFFFFF80] =	vst v1  }
0x57: {  	s20 =	sadd.s32 $0x100, s20;
	v0 =	vunpack.i.u.s16.s32 v9;
	v1 =	vunpack.i.l.s16.s32 v9;
	v9 =	vld [tilespmem:s22+$0xFFFFFE30];
	v12 =	vpack.i.b32.b16 v13, v12;
	[tilespmem:s19+$0x0] =	vst v5  }
0x58: {  	v6 =	vpack.i.b32.b16 v8, v6;
	v5 =	vunpack.i.u.s16.s32 v7;
	v7 =	vunpack.i.l.s16.s32 v7;
	v13 =	vld [tilespmem:s22+$0x30];
	[tilespmem:s20+$0x70] =	vst v12  }
0x59: {  	v4 =	vpack.i.b32.b16 v11, v4;
	v8 =	vunpack.i.u.s16.s32 v10;
	v10 =	vunpack.i.l.s16.s32 v10;
	v12 =	vld [tilespmem:s22+$0xFFFFFE40];
	[tilespmem:s19+$0x60] =	vst v6;
	s19 =	smov.u32 s20  }
0x5a: {  	v6 =	vpack.i.b32.b16 v10, v7;
	v7 =	vunpack.i.u.s16.s32 v3;
	v3 =	vunpack.i.l.s16.s32 v3;
	v11 =	vld [tilespmem:s22+$0x40];
	[tilespmem:s20+$0xFFFFFFF0] =	vst v4  }
.Ltmp4:
0x5b: {  	v5 =	vpack.i.b32.b16 v8, v5;
	[tilespmem:s20+$0xFFFFFF90] =	vst v6;
	v8 =	vunpack.i.u.s16.s32 v2;
	v2 =	vunpack.i.l.s16.s32 v2;
	v4 =	vld [tilespmem:s22+$0xFFFFFE50];
	(pc) =	sbr.rel @p0 .LBB1_5-.Ltmp4, $4  }
0x5c: {  	[tilespmem:s20+$0x10] =	vst v5;
	v2 =	vpack.i.b32.b16 v2, v3;
	v10 =	vunpack.i.u.s16.s32 v9;
	v3 =	vunpack.i.l.s16.s32 v9;
	v6 =	vld [tilespmem:s22+$0x50]  }
0x5d: {  	v5 =	vpack.i.b32.b16 v8, v7;
	[tilespmem:s20+$0xFFFFFFA0] =	vst v2;
	v9 =	vunpack.i.u.s16.s32 v13;
	v7 =	vunpack.i.l.s16.s32 v13;
	v2 =	vld [tilespmem:s22+$0xFFFFFE60]  }
0x5e: {  	[tilespmem:s20+$0x20] =	vst v5;
	v13 =	vpack.i.b32.b16 v7, v3;
	v7 =	vunpack.i.u.s16.s32 v12;
	v8 =	vunpack.i.l.s16.s32 v12;
	v3 =	vld [tilespmem:s22+$0x60]  }
0x5f: {  	v10 =	vpack.i.b32.b16 v9, v10;
	v5 =	vld [tilespmem:s22+$0xFFFFFE00];
	[tilespmem:s20+$0xFFFFFFB0] =	vst v13;
	v9 =	vunpack.i.u.s16.s32 v11;
	v11 =	vunpack.i.l.s16.s32 v11;
	s22 =	sadd.s32 $0x80, s22  }
0x60: {  	[tilespmem:s20+$0x30] =	vst v10;
	v8 =	vpack.i.b32.b16 v11, v8  }
0x61: {  	v51 =	vunpack.i.l.s16.s32 v4;
	v7 =	vpack.i.b32.b16 v9, v7;
	[tilespmem:s20+$0xFFFFFFC0] =	vst v8;
	v52 =	vunpack.i.l.s16.s32 v6  }
0x62: {  	v53 =	vunpack.i.u.s16.s32 v4;
	s18 =	sadd.s32 $0x1, s18;
	v54 =	vunpack.i.u.s16.s32 v6;
	[tilespmem:s20+$0x40] =	vst v7;
	v55 =	vpack.i.b32.b16 v52, v51  }
0x63: {  	p0 =	sne.s32 s18, s15;
	v56 =	vunpack.i.l.s16.s32 v2;
	v4 =	vpack.i.b32.b16 v54, v53;
	[tilespmem:s20+$0xFFFFFFD0] =	vst v55;
	v57 =	vunpack.i.l.s16.s32 v3  }
.Ltmp5:
0x64: {  	[tilespmem:s20+$0x50] =	vst v4;
	v58 =	vunpack.i.l.s16.s32 v5;
	v59 =	vpack.i.b32.b16 v57, v56;
	(pc) =	sbr.rel @p0 .LBB1_4-.Ltmp5, $4  }
.Ltmp6:
0x65: {  	v61 =	vunpack.i.u.s16.s32 v2;
	v62 =	vunpack.i.u.s16.s32 v3;
	v1 =	vpack.i.b32.b16 v1, v58;
	[tilespmem:s20+$0xFFFFFFE0] =	vst v59;
	(pc) =	sbr.rel @!p0 .LBB1_7-.Ltmp6, $4  }
0x66: {  	v60 =	vunpack.i.u.s16.s32 v5;
	v63 =	vpack.i.b32.b16 v62, v61;
	[tilespmem:s20+$0xFFFFFF80] =	vst v1  }
0x67: {  	v0 =	vpack.i.b32.b16 v0, v60;
	[tilespmem:s19+$0x60] =	vst v63  }
0x68: {  	s16 =	sadd.s32 $0x400, s16;
	s17 =	sadd.s32 $0x400, s17;
	[tilespmem:s19+$0x0] =	vst v0  }
0x69: {  	_ = 	snop  }
.LBB1_9:
0x6a: {  	_ =	sfence.sel $0x180000  }
0x6b: {  	s2 =	simm.s32 $0x1;
	[bflag:$0x0] =	sbarrier.arrive $0xFFFF  }
0x6c: {  	s31 =	simm.s32 $0x2;
	[sflag:s2] =	ssyncpa.u1 $0x1  }
0x6d: {  	[sflag:s31] =	ssyncpa.u1 $0x1  }
0x6e: {  	p0 =	sne.s32 s1, $0x0;
	_ =	strace $0x9000004A  }
0x6f: {  	s0 =	sadd.s32 @!p0 $0x100000, s0;
	[bflag:$0x2] =	sbarrier.arrive $0xFFFF  }
0x70: {  	[sflag:s0] =	ssyncadd.tile.s32 @!p0 $0x1;
	_ =	shalt  }
.Lfunc_end1:
_tile_overlayer_lowered:
.L_overlay_start_2:
0x71: {  	(tag) =	ssettag $0x2  }
0x72: {  	s0 =	rddreg [dreg:$0x0];
	s2 =	stileid.u32  }
0x73: {  	s1 =	rddreg [dreg:$0x1];
	p0 =	sne.s32 s2, $0x0  }
0x74: {  	s3 =	rddreg [dreg:$0x2];
	[bflag:$0x3] =	sbarrier.arrive $0xFFFF;
	s2 =	simm.s32 @!p0 $0x1C01  }
0x75: {  	[timem:s3], [sflag:s2] =	dma.local @!p0 [hbm:s0], s1  }
0x76: {  	s0 =	simm.s32 @!p0 $0x1  }
0x77: {  	_ =	swait.ge @!p0 [sflag:s0], s1  }
0x78: {  	s1 =	ssub.s32 @!p0 $0x0, s1;
	[sflag:s0] =	ssyncset.done @!p0 $0x0  }
0x79: {  	[sflag:s0] =	ssyncadd.s32 @!p0 s1  }
0x7a: {  	[bflag:$0x3] =	sbarrier.arrive $0xFFFF  }
0x7b: {  	_ =	shalt  }

</sc_bundles>
